<compile_context>
chip_gen: v7x
topology: tpu7x:2x2x1
jax: 0.10.2.dev20260603
libtpu: 0.0.44.dev20260713+nightly
codegen_flags: <defaults>
</compile_context>

<pallas_src>
import functools

import jax
import jax.numpy as jnp
from jax import lax
from jax.experimental import pallas as pl
from jax.experimental.pallas import tpu as pltpu
from jax.experimental.pallas import tpu_sc as plsc

DIM = 64
MARGIN = 1.0
C_COEF = 1.0
CHUNK = 128
NC = 2
NS = 16
NW = NC * NS
PBLK = 7296
NBLK = 69
PAIRH = PBLK * NBLK


def _tc_pack(et):

    def body(a_r, b_r, o_r):
        o_r[:, :DIM] = a_r[...].T
        o_r[:, DIM:] = b_r[...].T

    return pl.pallas_call(
        body,
        grid=(NBLK,),
        in_specs=[
            pl.BlockSpec((DIM, PBLK), lambda i: (0, i)),
            pl.BlockSpec((DIM, PBLK), lambda i: (0, i + NBLK)),
        ],
        out_specs=pl.BlockSpec((PBLK, 2 * DIM), lambda i: (i, 0)),
        out_shape=jax.ShapeDtypeStruct((PAIRH, 2 * DIM), jnp.float32),
    )(et, et)


def _sc_gather_pairs(tab2, rtab2, nvtab2, qe3, qr3):
    cpw = qe3.shape[1]
    n_ent = NW * cpw * CHUNK
    n_rel = NW * CHUNK
    with_rel = qr3 is not None

    mesh = plsc.VectorSubcoreMesh(core_axis_name="c", subcore_axis_name="s")
    if with_rel:
        out_type = (
            jax.ShapeDtypeStruct((n_ent, 2 * DIM), jnp.float32),
            jax.ShapeDtypeStruct((n_rel, 2 * DIM), jnp.float32),
            jax.ShapeDtypeStruct((n_rel, 2 * DIM), jnp.float32),
        )
    else:
        out_type = jax.ShapeDtypeStruct((n_ent, 2 * DIM), jnp.float32)

    @functools.partial(
        pl.kernel,
        mesh=mesh,
        out_type=out_type,
        scratch_types=[
            pltpu.VMEM((cpw, CHUNK), jnp.int32),
            pltpu.VMEM((1, CHUNK), jnp.int32),
            pltpu.VMEM((CHUNK, 2 * DIM), jnp.float32),
            pltpu.VMEM((CHUNK, 2 * DIM), jnp.float32),
            pltpu.SemaphoreType.DMA,
            pltpu.SemaphoreType.DMA,
        ],
    )
    def gather_k(*refs):
        if with_rel:
            (tab, rtab, nvtab, qe_h, qr_h, ent_o, r_o, nv_o,
             idx_v, ridx_v, buf0, buf1, sem0, sem1) = refs
        else:
            (tab, qe_h, ent_o,
             idx_v, ridx_v, buf0, buf1, sem0, sem1) = refs
        wid = lax.axis_index("s") * NC + lax.axis_index("c")
        cbase = wid * cpw
        pltpu.sync_copy(qe_h.at[wid], idx_v)

        bufs = (buf0, buf1)
        sems = (sem0, sem1)

        pltpu.async_copy(tab.at[idx_v.at[0]], buf0, sem0)

        def body(k, carry):
            j0 = 2 * k
            pltpu.async_copy(tab.at[idx_v.at[j0 + 1]], bufs[1], sems[1])
            pltpu.make_async_copy(tab.at[idx_v.at[j0]], bufs[0], sems[0]).wait()
            pltpu.sync_copy(bufs[0], ent_o.at[pl.ds((cbase + j0) * CHUNK, CHUNK)])

            @pl.when(k < (cpw // 2) - 1)
            def _():
                pltpu.async_copy(tab.at[idx_v.at[j0 + 2]], bufs[0], sems[0])

            pltpu.make_async_copy(
                tab.at[idx_v.at[j0 + 1]], bufs[1], sems[1]).wait()
            pltpu.sync_copy(
                bufs[1], ent_o.at[pl.ds((cbase + j0 + 1) * CHUNK, CHUNK)])
            return carry

        lax.fori_loop(0, cpw // 2, body, 0)

        if cpw % 2:
            j = cpw - 1
            pltpu.async_copy(tab.at[idx_v.at[j]], buf0, sem0).wait()
            pltpu.sync_copy(buf0, ent_o.at[pl.ds((cbase + j) * CHUNK, CHUNK)])

        if with_rel:
            pltpu.sync_copy(qr_h.at[wid], ridx_v)
            pltpu.async_copy(rtab.at[ridx_v.at[0]], buf0, sem0).wait()
            pltpu.sync_copy(buf0, r_o.at[pl.ds(wid * CHUNK, CHUNK)])
            pltpu.async_copy(nvtab.at[ridx_v.at[0]], buf1, sem1).wait()
            pltpu.sync_copy(buf1, nv_o.at[pl.ds(wid * CHUNK, CHUNK)])

    if with_rel:
        return gather_k(tab2, rtab2, nvtab2, qe3, qr3)
    return (gather_k(tab2, qe3),)


def _tc_loss(epairs, rpairs, nvpairs, pf, pnh_a, pnt_a, B, NEG, rbase):
    ngrid = B // CHUNK
    negblk = CHUNK * NEG

    def sel(p2, par):
        lo = p2[:, :DIM]
        hi = p2[:, DIM:]
        return lo + par * (hi - lo)

    def body(h_r, t_r, nh_r, nt_r, rr_r, nv_r, pf_r, pnh_r, pnt_r, loss_r,
             acc_m, acc_s, acc_o, acc_r):
        i = pl.program_id(0)

        @pl.when(i == 0)
        def _init():
            acc_m[0, 0] = 0.0
            acc_s[0, 0] = 0.0
            acc_o[0, 0] = 0.0
            acc_r[0, 0] = 0.0

        par = pf_r[...]
        h = sel(h_r[...], par[:, 0:1])
        t = sel(t_r[...], par[:, 1:2])
        r = sel(rr_r[...], par[:, 2:3])
        nv_raw = sel(nv_r[...], par[:, 2:3])

        denom = jnp.maximum(
            jnp.sum(jnp.abs(nv_raw), axis=1, keepdims=True), 1e-12)
        nv = nv_raw / denom
        d = h - t
        dot = jnp.sum(d * nv, axis=1, keepdims=True)
        e = d - dot * nv + r
        pos = jnp.sum(jnp.abs(e), axis=1, keepdims=True)

        nh3 = nh_r[...].reshape(CHUNK, NEG, 2 * DIM)
        nt3 = nt_r[...].reshape(CHUNK, NEG, 2 * DIM)
        pnh = pnh_r[...][:, :, None]
        pnt = pnt_r[...][:, :, None]
        nh = nh3[:, :, :DIM] + pnh * (nh3[:, :, DIM:] - nh3[:, :, :DIM])
        nt = nt3[:, :, :DIM] + pnt * (nt3[:, :, DIM:] - nt3[:, :, :DIM])

        dd = nh - nt
        nvu = nv[:, None, :]
        ndot = jnp.sum(dd * nvu, axis=2, keepdims=True)
        ne = dd - ndot * nvu + r[:, None, :]
        ndist = jnp.sum(jnp.abs(ne), axis=2)

        acc_m[0, 0] += jnp.sum(jnp.maximum(pos + MARGIN - ndist, 0.0))
        acc_s[0, 0] += (
            jnp.sum(jnp.maximum(jnp.sum(h * h, axis=1) - 1.0, 0.0))
            + jnp.sum(jnp.maximum(jnp.sum(t * t, axis=1) - 1.0, 0.0))
            + jnp.sum(jnp.maximum(jnp.sum(nh * nh, axis=2) - 1.0, 0.0))
            + jnp.sum(jnp.maximum(jnp.sum(nt * nt, axis=2) - 1.0, 0.0)))
        acc_o[0, 0] += jnp.sum(jnp.sum(nv * r, axis=1) ** 2)
        acc_r[0, 0] += jnp.sum(jnp.maximum(jnp.sum(r * r, axis=1) - 1.0, 0.0))

        @pl.when(i == ngrid - 1)
        def _fin():
            loss_r[0, 0] = acc_m[0, 0]
            loss_r[0, 1] = acc_s[0, 0]
            loss_r[0, 2] = acc_o[0, 0]
            loss_r[0, 3] = acc_r[0, 0]

    return pl.pallas_call(
        body,
        grid=(ngrid,),
        in_specs=[
            pl.BlockSpec((CHUNK, 2 * DIM), lambda i: (i, 0)),
            pl.BlockSpec((CHUNK, 2 * DIM), lambda i: (i + ngrid, 0)),
            pl.BlockSpec((negblk, 2 * DIM),
                         lambda i: (i + (2 * B) // negblk, 0)),
            pl.BlockSpec((negblk, 2 * DIM),
                         lambda i: (i + (2 * B + B * NEG) // negblk, 0)),
            pl.BlockSpec((CHUNK, 2 * DIM), lambda i: (i + rbase, 0)),
            pl.BlockSpec((CHUNK, 2 * DIM), lambda i: (i + rbase, 0)),
            pl.BlockSpec((CHUNK, 2 * DIM), lambda i: (i, 0)),
            pl.BlockSpec((CHUNK, NEG), lambda i: (i, 0)),
            pl.BlockSpec((CHUNK, NEG), lambda i: (i, 0)),
        ],
        out_specs=pl.BlockSpec(memory_space=pltpu.SMEM),
        out_shape=jax.ShapeDtypeStruct((1, 4), jnp.float32),
        scratch_shapes=[pltpu.SMEM((1, 1), jnp.float32)] * 4,
    )(epairs, epairs, epairs, epairs, rpairs, nvpairs, pf, pnh_a, pnt_a)


def kernel(h, r, t, neg_samples, entity_emb, relation_emb, norm_vector_table):
    B = h.shape[0]
    NEG = neg_samples.shape[1]
    Bh = B // 2
    qr = r >> 1
    pr = (r & 1).astype(jnp.float32)

    tab2 = _tc_pack(entity_emb.T)
    rtab2 = relation_emb.reshape(-1, 2 * DIM)
    nvtab2 = norm_vector_table.reshape(-1, 2 * DIM)

    def half(lo, hi):
        eidx = jnp.concatenate([
            h[lo:hi], t[lo:hi],
            neg_samples[lo:hi, :, 0].reshape(-1),
            neg_samples[lo:hi, :, 1].reshape(-1),
        ])
        pe_b = eidx >= PAIRH
        qe = jnp.where(pe_b, eidx - PAIRH, eidx)
        pe = pe_b.astype(jnp.float32)
        pf = jnp.concatenate([
            pe[:Bh][:, None], pe[Bh:2 * Bh][:, None], pr[lo:hi][:, None],
            jnp.zeros((Bh, 2 * DIM - 3), jnp.float32),
        ], axis=1)
        pnh_a = pe[2 * Bh:2 * Bh + Bh * NEG].reshape(Bh, NEG)
        pnt_a = pe[2 * Bh + Bh * NEG:].reshape(Bh, NEG)
        return qe.reshape(NW, -1, CHUNK), pf, pnh_a, pnt_a

    qe3_a, pf_a, pnh_a, pnt_a = half(0, Bh)
    qe3_b, pf_b, pnh_b, pnt_b = half(Bh, B)
    qr3 = qr.reshape(NW, 1, CHUNK)

    epairs_a, rpairs, nvpairs = _sc_gather_pairs(tab2, rtab2, nvtab2,
                                                 qe3_a, qr3)
    (epairs_b,) = _sc_gather_pairs(tab2, None, None, qe3_b, None)
    sums_a = _tc_loss(epairs_a, rpairs, nvpairs, pf_a, pnh_a, pnt_a,
                      Bh, NEG, 0)
    sums_b = _tc_loss(epairs_b, rpairs, nvpairs, pf_b, pnh_b, pnt_b,
                      Bh, NEG, Bh // CHUNK)
    s = sums_a + sums_b
    n_embs = 2.0 * B + 2.0 * B * NEG
    return (s[0, 0] / (B * NEG)
            + C_COEF * (s[0, 2] / B + s[0, 1] / n_embs + s[0, 3] / B))

# --- scband reference (transcript-rebuilt; emitter-appended) ---
"""Pipeline reference for scband-trans-h-20023137534889 (READ-ONLY COPY).

The authoritative reference and input builder live on the scoring server;
editing this copy changes nothing except your own understanding.
"""

import jax, jax.numpy as jnp
import numpy as np

NUM_ENTITIES = 1000000
NUM_RELATIONS = 1000
DIM = 64
MARGIN = 1.0
C_COEF = 1.0
P = 1
B = 4096
NEG = 32


def setup_inputs(seed: int = 0) -> dict:
    key = jax.random.key(seed)
    k1, k2, k3, k4, k5, k6, k7 = jax.random.split(key, 7)
    h = jax.random.randint(k1, (B,), 0, NUM_ENTITIES, dtype=jnp.int32)
    r = jax.random.randint(k2, (B,), 0, NUM_RELATIONS, dtype=jnp.int32)
    t = jax.random.randint(k3, (B,), 0, NUM_ENTITIES, dtype=jnp.int32)
    neg_samples = jax.random.randint(k4, (B, NEG, 2), 0, NUM_ENTITIES, dtype=jnp.int32)
    # xavier uniform init, matching nn.init.xavier_uniform_
    bound_e = float(np.sqrt(6.0 / (NUM_ENTITIES + DIM)))
    bound_r = float(np.sqrt(6.0 / (NUM_RELATIONS + DIM)))
    entity_emb = jax.random.uniform(k5, (NUM_ENTITIES, DIM), minval=-bound_e, maxval=bound_e, dtype=jnp.float32)
    relation_emb = jax.random.uniform(k6, (NUM_RELATIONS, DIM), minval=-bound_r, maxval=bound_r, dtype=jnp.float32)
    norm_vector_table = jax.random.uniform(k7, (NUM_RELATIONS, DIM), minval=-bound_r, maxval=bound_r, dtype=jnp.float32)
    return {"h": h, "r": r, "t": t, "neg_samples": neg_samples,
            "entity_emb": entity_emb, "relation_emb": relation_emb,
            "norm_vector_table": norm_vector_table}


def _lp_norm(x, axis):
    # p = 1 norm (matches torch.norm(..., p=1))
    return jnp.sum(jnp.abs(x), axis=axis)


def reference(h, r, t, neg_samples, entity_emb, relation_emb, norm_vector_table):
    h_emb = jnp.take(entity_emb, h, axis=0)
    r_emb = jnp.take(relation_emb, r, axis=0)
    t_emb = jnp.take(entity_emb, t, axis=0)
    neg_h_emb = jnp.take(entity_emb, neg_samples[:, :, 0], axis=0)
    neg_t_emb = jnp.take(entity_emb, neg_samples[:, :, 1], axis=0)

    # F.normalize(norm_vector(r), p=1, dim=1)
    nv_raw = jnp.take(norm_vector_table, r, axis=0)
    denom = jnp.maximum(_lp_norm(nv_raw, axis=1)[:, None], 1e-12)
    nv = nv_raw / denom

    # positive distance
    h_proj = jnp.sum(h_emb * nv, axis=-1, keepdims=True) * nv
    t_proj = jnp.sum(t_emb * nv, axis=-1, keepdims=True) * nv
    pos_distance = _lp_norm(h_emb - h_proj + r_emb - (t_emb - t_proj), axis=-1)

    # negative distance (norm_vector broadcast over neg dim)
    nvu = nv[:, None, :]
    nh_proj = jnp.sum(neg_h_emb * nvu, axis=-1, keepdims=True) * nvu
    nt_proj = jnp.sum(neg_t_emb * nvu, axis=-1, keepdims=True) * nvu
    neg_distance = _lp_norm(neg_h_emb - nh_proj + r_emb[:, None, :] - (neg_t_emb - nt_proj), axis=-1)

    # scale loss over all gathered entity embeddings
    embs = jnp.concatenate([h_emb, t_emb,
                            neg_h_emb.reshape(-1, DIM),
                            neg_t_emb.reshape(-1, DIM)], axis=0)
    loss_scale = jnp.mean(jax.nn.relu(jnp.sum(embs ** 2, axis=1) - 1.0))

    # orthogonality loss
    loss_orthogonal = jnp.mean(jnp.sum(nv * r_emb, axis=1) ** 2)

    # relation scale loss
    loss_scale_rel = jnp.mean(jax.nn.relu(jnp.sum(r_emb ** 2, axis=-1) - 1.0))

    # margin ranking loss
    margin_loss = jnp.mean(jax.nn.relu(pos_distance[:, None] + MARGIN - neg_distance))

    loss = margin_loss + C_COEF * (loss_orthogonal + loss_scale + loss_scale_rel)
    return loss

if __name__ == "__main__":
    import jax
    _d = setup_inputs()
    print(jax.jit(kernel)(*tuple(_d.values())))

</pallas_src>

<mosaic_0001>
#map = affine_map<(d0, d1) -> (0, 0)>
#map1 = affine_map<(d0, d1) -> (0, 0, 0)>
module attributes {stable_mosaic.version = 14 : i64} {
  func.func @gather_k(%arg0: i32, %arg1: i32, %arg2: memref<503424x128xf32, #tpu.memory_space<hbm>>, %arg3: memref<500x128xf32, #tpu.memory_space<hbm>>, %arg4: memref<500x128xf32, #tpu.memory_space<hbm>>, %arg5: memref<32x33x128xi32, #tpu.memory_space<hbm>>, %arg6: memref<32x1x128xi32, #tpu.memory_space<hbm>>, %arg7: memref<135168x128xf32, #tpu.memory_space<hbm>>, %arg8: memref<4096x128xf32, #tpu.memory_space<hbm>>, %arg9: memref<4096x128xf32, #tpu.memory_space<hbm>>, %arg10: memref<33x128xi32, #tpu.memory_space<vmem>>, %arg11: memref<1x128xi32, #tpu.memory_space<vmem>>, %arg12: memref<128x128xf32, #tpu.memory_space<vmem>>, %arg13: memref<128x128xf32, #tpu.memory_space<vmem>>, %arg14: memref<!tpu.dma_semaphore, #tpu.memory_space<semaphore_mem>>, %arg15: memref<!tpu.dma_semaphore, #tpu.memory_space<semaphore_mem>>) attributes {dimension_semantics = [#tpu.dimension_semantics<core_parallel>, #tpu.dimension_semantics<subcore_parallel>], iteration_bounds = array<i64: 2, 16>, scalar_prefetch = 0 : i64, scratch_operands = 6 : i64, tpu.core_type = #tpu.core_type<sc_vector_subcore>, window_params = [{transform_indices = #map}, {transform_indices = #map}, {transform_indices = #map}, {transform_indices = #map1}, {transform_indices = #map1}, {transform_indices = #map}, {transform_indices = #map}, {transform_indices = #map}]} {
    %mul3A = arith.constant 2 : i32
    %mul3A_0 = arith.muli %arg1, %mul3A : i32
    %add3A = arith.addi %mul3A_0, %arg0 : i32
    %mul3A_1 = arith.constant 33 : i32
    %mul3A_2 = arith.muli %add3A, %mul3A_1 : i32
    "tpu.region"() ({
      %run_scoped3A = tpu.sem_alloc : memref<!tpu.dma_semaphore, #tpu.memory_space<semaphore_mem>>
      %dma_start3A_63 = arith.constant 0 : i32
      %dma_start3A_64 = arith.constant 0 : i32
      %dma_start3A_65 = tpu.memref_slice %arg5[%add3A, %dma_start3A_63, %dma_start3A_64] : memref<32x33x128xi32, #tpu.memory_space<hbm>> -> memref<1x33x128xi32, #tpu.memory_space<hbm>>
      %dma_start3A_66 = tpu.memref_squeeze %dma_start3A_65 : memref<1x33x128xi32, #tpu.memory_space<hbm>> -> memref<33x128xi32, #tpu.memory_space<hbm>>
      %dma_start3A_67 = arith.constant 0 : i32
      %dma_start3A_68 = arith.constant 0 : i32
      %dma_start3A_69 = tpu.memref_slice %arg5[%add3A, %dma_start3A_67, %dma_start3A_68] : memref<32x33x128xi32, #tpu.memory_space<hbm>> -> memref<1x33x128xi32, #tpu.memory_space<hbm>>
      %dma_start3A_70 = tpu.memref_squeeze %dma_start3A_69 : memref<1x33x128xi32, #tpu.memory_space<hbm>> -> memref<33x128xi32, #tpu.memory_space<hbm>>
      tpu.enqueue_dma source(%dma_start3A_70 : memref<33x128xi32, #tpu.memory_space<hbm>>) target(%arg10 : memref<33x128xi32, #tpu.memory_space<vmem>>) target_semaphore(%run_scoped3A : memref<!tpu.dma_semaphore, #tpu.memory_space<semaphore_mem>>)
      %dma_wait3A_71 = arith.constant 0 : i32
      %dma_wait3A_72 = arith.constant 0 : i32
      %dma_wait3A_73 = tpu.memref_slice %arg5[%add3A, %dma_wait3A_71, %dma_wait3A_72] : memref<32x33x128xi32, #tpu.memory_space<hbm>> -> memref<1x33x128xi32, #tpu.memory_space<hbm>>
      %dma_wait3A_74 = tpu.memref_squeeze %dma_wait3A_73 : memref<1x33x128xi32, #tpu.memory_space<hbm>> -> memref<33x128xi32, #tpu.memory_space<hbm>>
      %dma_wait3A_75 = arith.constant 0 : i32
      %dma_wait3A_76 = arith.constant 0 : i32
      %dma_wait3A_77 = tpu.memref_slice %arg5[%add3A, %dma_wait3A_75, %dma_wait3A_76] : memref<32x33x128xi32, #tpu.memory_space<hbm>> -> memref<1x33x128xi32, #tpu.memory_space<hbm>>
      %dma_wait3A_78 = tpu.memref_squeeze %dma_wait3A_77 : memref<1x33x128xi32, #tpu.memory_space<hbm>> -> memref<33x128xi32, #tpu.memory_space<hbm>>
      tpu.wait_dma2 semaphore(%run_scoped3A : memref<!tpu.dma_semaphore, #tpu.memory_space<semaphore_mem>>) src(%dma_wait3A_78 : memref<33x128xi32, #tpu.memory_space<hbm>>) dst(%arg10 : memref<33x128xi32, #tpu.memory_space<vmem>>)
      tpu.yield
    }) : () -> ()
    %dma_start3A = arith.constant 0 : i32
    %dma_start3A_3 = arith.constant 0 : i32
    %dma_start3A_4 = tpu.memref_slice %arg10[%dma_start3A, %dma_start3A_3] : memref<33x128xi32, #tpu.memory_space<vmem>> -> memref<1x128xi32, #tpu.memory_space<vmem>>
    %dma_start3A_5 = tpu.memref_squeeze %dma_start3A_4 : memref<1x128xi32, #tpu.memory_space<vmem>> -> memref<128xi32, #tpu.memory_space<vmem>>
    %dma_start3A_6 = arith.constant 0 : i32
    %dma_start3A_7 = arith.constant 0 : i32
    %dma_start3A_8 = tpu.memref_slice %arg2[%dma_start3A_6, %dma_start3A_7] : memref<503424x128xf32, #tpu.memory_space<hbm>> -> memref<503424x128xf32, #tpu.memory_space<hbm>>
    tpu.enqueue_indirect_dma source(%dma_start3A_8 : memref<503424x128xf32, #tpu.memory_space<hbm>>) target(%arg12 : memref<128x128xf32, #tpu.memory_space<vmem>>) offsets(%dma_start3A_5 : memref<128xi32, #tpu.memory_space<vmem>>) semaphore(%arg14 : memref<!tpu.dma_semaphore, #tpu.memory_space<semaphore_mem>>)
    %scan3A = arith.constant 0 : i32
    %scan3A_9 = arith.constant 0 : i32
    %scan3A_10 = arith.constant 16 : i32
    %scan3A_11 = arith.addi %scan3A_9, %scan3A_10 : i32
    %scan3A_12 = arith.constant 1 : i32
    scf.for %scan3A_63 = %scan3A_9 to %scan3A_11 step %scan3A_12  : i32 {
      %mul3A_64 = arith.constant 2 : i32
      %mul3A_65 = arith.muli %mul3A_64, %scan3A_63 : i32
      %add3A_66 = arith.constant 1 : i32
      %add3A_67 = arith.addi %mul3A_65, %add3A_66 : i32
      %dma_start3A_68 = arith.constant 0 : i32
      %dma_start3A_69 = tpu.memref_slice %arg10[%add3A_67, %dma_start3A_68] : memref<33x128xi32, #tpu.memory_space<vmem>> -> memref<1x128xi32, #tpu.memory_space<vmem>>
      %dma_start3A_70 = tpu.memref_squeeze %dma_start3A_69 : memref<1x128xi32, #tpu.memory_space<vmem>> -> memref<128xi32, #tpu.memory_space<vmem>>
      %dma_start3A_71 = arith.constant 0 : i32
      %dma_start3A_72 = arith.constant 0 : i32
      %dma_start3A_73 = tpu.memref_slice %arg2[%dma_start3A_71, %dma_start3A_72] : memref<503424x128xf32, #tpu.memory_space<hbm>> -> memref<503424x128xf32, #tpu.memory_space<hbm>>
      tpu.enqueue_indirect_dma source(%dma_start3A_73 : memref<503424x128xf32, #tpu.memory_space<hbm>>) target(%arg13 : memref<128x128xf32, #tpu.memory_space<vmem>>) offsets(%dma_start3A_70 : memref<128xi32, #tpu.memory_space<vmem>>) semaphore(%arg15 : memref<!tpu.dma_semaphore, #tpu.memory_space<semaphore_mem>>)
      %dma_wait3A_74 = arith.constant 0 : i32
      %dma_wait3A_75 = tpu.memref_slice %arg10[%mul3A_65, %dma_wait3A_74] : memref<33x128xi32, #tpu.memory_space<vmem>> -> memref<1x128xi32, #tpu.memory_space<vmem>>
      %dma_wait3A_76 = tpu.memref_squeeze %dma_wait3A_75 : memref<1x128xi32, #tpu.memory_space<vmem>> -> memref<128xi32, #tpu.memory_space<vmem>>
      %dma_wait3A_77 = arith.constant 0 : i32
      %dma_wait3A_78 = arith.constant 0 : i32
      %dma_wait3A_79 = tpu.memref_slice %arg2[%dma_wait3A_77, %dma_wait3A_78] : memref<503424x128xf32, #tpu.memory_space<hbm>> -> memref<503424x128xf32, #tpu.memory_space<hbm>>
      tpu.wait_indirect_dma semaphore(%arg14 : memref<!tpu.dma_semaphore, #tpu.memory_space<semaphore_mem>>) src(%dma_wait3A_79 : memref<503424x128xf32, #tpu.memory_space<hbm>>) dst(%arg12 : memref<128x128xf32, #tpu.memory_space<vmem>>)
      %add3A_80 = arith.addi %mul3A_2, %mul3A_65 : i32
      %mul3A_81 = arith.constant 128 : i32
      %mul3A_82 = arith.muli %add3A_80, %mul3A_81 : i32
      "tpu.region"() ({
        %run_scoped3A = tpu.sem_alloc : memref<!tpu.dma_semaphore, #tpu.memory_space<semaphore_mem>>
        %dma_start3A_98 = arith.constant 0 : i32
        %dma_start3A_99 = tpu.memref_slice %arg7[%mul3A_82, %dma_start3A_98] : memref<135168x128xf32, #tpu.memory_space<hbm>> -> memref<128x128xf32, #tpu.memory_space<hbm>>
        %dma_start3A_100 = arith.constant 0 : i32
        %dma_start3A_101 = tpu.memref_slice %arg7[%mul3A_82, %dma_start3A_100] : memref<135168x128xf32, #tpu.memory_space<hbm>> -> memref<128x128xf32, #tpu.memory_space<hbm>>
        tpu.enqueue_dma source(%arg12 : memref<128x128xf32, #tpu.memory_space<vmem>>) target(%dma_start3A_101 : memref<128x128xf32, #tpu.memory_space<hbm>>) target_semaphore(%run_scoped3A : memref<!tpu.dma_semaphore, #tpu.memory_space<semaphore_mem>>)
        %dma_wait3A_102 = arith.constant 0 : i32
        %dma_wait3A_103 = tpu.memref_slice %arg7[%mul3A_82, %dma_wait3A_102] : memref<135168x128xf32, #tpu.memory_space<hbm>> -> memref<128x128xf32, #tpu.memory_space<hbm>>
        %dma_wait3A_104 = arith.constant 0 : i32
        %dma_wait3A_105 = tpu.memref_slice %arg7[%mul3A_82, %dma_wait3A_104] : memref<135168x128xf32, #tpu.memory_space<hbm>> -> memref<128x128xf32, #tpu.memory_space<hbm>>
        tpu.wait_dma2 semaphore(%run_scoped3A : memref<!tpu.dma_semaphore, #tpu.memory_space<semaphore_mem>>) src(%arg12 : memref<128x128xf32, #tpu.memory_space<vmem>>) dst(%dma_wait3A_105 : memref<128x128xf32, #tpu.memory_space<hbm>>)
        tpu.yield
      }) : () -> ()
      %lt3A = arith.constant 15 : i32
      %lt3A_83 = arith.cmpi slt, %scan3A_63, %lt3A : i32
      %convert_element_type3A = arith.extui %lt3A_83 : i1 to i32
      %cond3A = arith.constant 0 : i32
      %cond3A_84 = arith.cmpi ne, %convert_element_type3A, %cond3A : i32
      scf.if %cond3A_84 {
        %add3A_98 = arith.constant 2 : i32
        %add3A_99 = arith.addi %mul3A_65, %add3A_98 : i32
        %dma_start3A_100 = arith.constant 0 : i32
        %dma_start3A_101 = tpu.memref_slice %arg10[%add3A_99, %dma_start3A_100] : memref<33x128xi32, #tpu.memory_space<vmem>> -> memref<1x128xi32, #tpu.memory_space<vmem>>
        %dma_start3A_102 = tpu.memref_squeeze %dma_start3A_101 : memref<1x128xi32, #tpu.memory_space<vmem>> -> memref<128xi32, #tpu.memory_space<vmem>>
        %dma_start3A_103 = arith.constant 0 : i32
        %dma_start3A_104 = arith.constant 0 : i32
        %dma_start3A_105 = tpu.memref_slice %arg2[%dma_start3A_103, %dma_start3A_104] : memref<503424x128xf32, #tpu.memory_space<hbm>> -> memref<503424x128xf32, #tpu.memory_space<hbm>>
        tpu.enqueue_indirect_dma source(%dma_start3A_105 : memref<503424x128xf32, #tpu.memory_space<hbm>>) target(%arg12 : memref<128x128xf32, #tpu.memory_space<vmem>>) offsets(%dma_start3A_102 : memref<128xi32, #tpu.memory_space<vmem>>) semaphore(%arg14 : memref<!tpu.dma_semaphore, #tpu.memory_space<semaphore_mem>>)
      } else {
      }
      %add3A_85 = arith.constant 1 : i32
      %add3A_86 = arith.addi %mul3A_65, %add3A_85 : i32
      %dma_wait3A_87 = arith.constant 0 : i32
      %dma_wait3A_88 = tpu.memref_slice %arg10[%add3A_86, %dma_wait3A_87] : memref<33x128xi32, #tpu.memory_space<vmem>> -> memref<1x128xi32, #tpu.memory_space<vmem>>
      %dma_wait3A_89 = tpu.memref_squeeze %dma_wait3A_88 : memref<1x128xi32, #tpu.memory_space<vmem>> -> memref<128xi32, #tpu.memory_space<vmem>>
      %dma_wait3A_90 = arith.constant 0 : i32
      %dma_wait3A_91 = arith.constant 0 : i32
      %dma_wait3A_92 = tpu.memref_slice %arg2[%dma_wait3A_90, %dma_wait3A_91] : memref<503424x128xf32, #tpu.memory_space<hbm>> -> memref<503424x128xf32, #tpu.memory_space<hbm>>
      tpu.wait_indirect_dma semaphore(%arg15 : memref<!tpu.dma_semaphore, #tpu.memory_space<semaphore_mem>>) src(%dma_wait3A_92 : memref<503424x128xf32, #tpu.memory_space<hbm>>) dst(%arg13 : memref<128x128xf32, #tpu.memory_space<vmem>>)
      %add3A_93 = arith.addi %mul3A_2, %mul3A_65 : i32
      %add3A_94 = arith.constant 1 : i32
      %add3A_95 = arith.addi %add3A_93, %add3A_94 : i32
      %mul3A_96 = arith.constant 128 : i32
      %mul3A_97 = arith.muli %add3A_95, %mul3A_96 : i32
      "tpu.region"() ({
        %run_scoped3A = tpu.sem_alloc : memref<!tpu.dma_semaphore, #tpu.memory_space<semaphore_mem>>
        %dma_start3A_98 = arith.constant 0 : i32
        %dma_start3A_99 = tpu.memref_slice %arg7[%mul3A_97, %dma_start3A_98] : memref<135168x128xf32, #tpu.memory_space<hbm>> -> memref<128x128xf32, #tpu.memory_space<hbm>>
        %dma_start3A_100 = arith.constant 0 : i32
        %dma_start3A_101 = tpu.memref_slice %arg7[%mul3A_97, %dma_start3A_100] : memref<135168x128xf32, #tpu.memory_space<hbm>> -> memref<128x128xf32, #tpu.memory_space<hbm>>
        tpu.enqueue_dma source(%arg13 : memref<128x128xf32, #tpu.memory_space<vmem>>) target(%dma_start3A_101 : memref<128x128xf32, #tpu.memory_space<hbm>>) target_semaphore(%run_scoped3A : memref<!tpu.dma_semaphore, #tpu.memory_space<semaphore_mem>>)
        %dma_wait3A_102 = arith.constant 0 : i32
        %dma_wait3A_103 = tpu.memref_slice %arg7[%mul3A_97, %dma_wait3A_102] : memref<135168x128xf32, #tpu.memory_space<hbm>> -> memref<128x128xf32, #tpu.memory_space<hbm>>
        %dma_wait3A_104 = arith.constant 0 : i32
        %dma_wait3A_105 = tpu.memref_slice %arg7[%mul3A_97, %dma_wait3A_104] : memref<135168x128xf32, #tpu.memory_space<hbm>> -> memref<128x128xf32, #tpu.memory_space<hbm>>
        tpu.wait_dma2 semaphore(%run_scoped3A : memref<!tpu.dma_semaphore, #tpu.memory_space<semaphore_mem>>) src(%arg13 : memref<128x128xf32, #tpu.memory_space<vmem>>) dst(%dma_wait3A_105 : memref<128x128xf32, #tpu.memory_space<hbm>>)
        tpu.yield
      }) : () -> ()
    }
    %scan3A_13 = arith.constant 16 : i32
    %dma_start3A_14 = arith.constant 32 : i32
    %dma_start3A_15 = arith.constant 0 : i32
    %dma_start3A_16 = tpu.memref_slice %arg10[%dma_start3A_14, %dma_start3A_15] : memref<33x128xi32, #tpu.memory_space<vmem>> -> memref<1x128xi32, #tpu.memory_space<vmem>>
    %dma_start3A_17 = tpu.memref_squeeze %dma_start3A_16 : memref<1x128xi32, #tpu.memory_space<vmem>> -> memref<128xi32, #tpu.memory_space<vmem>>
    %dma_start3A_18 = arith.constant 0 : i32
    %dma_start3A_19 = arith.constant 0 : i32
    %dma_start3A_20 = tpu.memref_slice %arg2[%dma_start3A_18, %dma_start3A_19] : memref<503424x128xf32, #tpu.memory_space<hbm>> -> memref<503424x128xf32, #tpu.memory_space<hbm>>
    tpu.enqueue_indirect_dma source(%dma_start3A_20 : memref<503424x128xf32, #tpu.memory_space<hbm>>) target(%arg12 : memref<128x128xf32, #tpu.memory_space<vmem>>) offsets(%dma_start3A_17 : memref<128xi32, #tpu.memory_space<vmem>>) semaphore(%arg14 : memref<!tpu.dma_semaphore, #tpu.memory_space<semaphore_mem>>)
    %dma_wait3A = arith.constant 32 : i32
    %dma_wait3A_21 = arith.constant 0 : i32
    %dma_wait3A_22 = tpu.memref_slice %arg10[%dma_wait3A, %dma_wait3A_21] : memref<33x128xi32, #tpu.memory_space<vmem>> -> memref<1x128xi32, #tpu.memory_space<vmem>>
    %dma_wait3A_23 = tpu.memref_squeeze %dma_wait3A_22 : memref<1x128xi32, #tpu.memory_space<vmem>> -> memref<128xi32, #tpu.memory_space<vmem>>
    %dma_wait3A_24 = arith.constant 0 : i32
    %dma_wait3A_25 = arith.constant 0 : i32
    %dma_wait3A_26 = tpu.memref_slice %arg2[%dma_wait3A_24, %dma_wait3A_25] : memref<503424x128xf32, #tpu.memory_space<hbm>> -> memref<503424x128xf32, #tpu.memory_space<hbm>>
    tpu.wait_indirect_dma semaphore(%arg14 : memref<!tpu.dma_semaphore, #tpu.memory_space<semaphore_mem>>) src(%dma_wait3A_26 : memref<503424x128xf32, #tpu.memory_space<hbm>>) dst(%arg12 : memref<128x128xf32, #tpu.memory_space<vmem>>)
    %add3A_27 = arith.constant 32 : i32
    %add3A_28 = arith.addi %mul3A_2, %add3A_27 : i32
    %mul3A_29 = arith.constant 128 : i32
    %mul3A_30 = arith.muli %add3A_28, %mul3A_29 : i32
    "tpu.region"() ({
      %run_scoped3A = tpu.sem_alloc : memref<!tpu.dma_semaphore, #tpu.memory_space<semaphore_mem>>
      %dma_start3A_63 = arith.constant 0 : i32
      %dma_start3A_64 = tpu.memref_slice %arg7[%mul3A_30, %dma_start3A_63] : memref<135168x128xf32, #tpu.memory_space<hbm>> -> memref<128x128xf32, #tpu.memory_space<hbm>>
      %dma_start3A_65 = arith.constant 0 : i32
      %dma_start3A_66 = tpu.memref_slice %arg7[%mul3A_30, %dma_start3A_65] : memref<135168x128xf32, #tpu.memory_space<hbm>> -> memref<128x128xf32, #tpu.memory_space<hbm>>
      tpu.enqueue_dma source(%arg12 : memref<128x128xf32, #tpu.memory_space<vmem>>) target(%dma_start3A_66 : memref<128x128xf32, #tpu.memory_space<hbm>>) target_semaphore(%run_scoped3A : memref<!tpu.dma_semaphore, #tpu.memory_space<semaphore_mem>>)
      %dma_wait3A_67 = arith.constant 0 : i32
      %dma_wait3A_68 = tpu.memref_slice %arg7[%mul3A_30, %dma_wait3A_67] : memref<135168x128xf32, #tpu.memory_space<hbm>> -> memref<128x128xf32, #tpu.memory_space<hbm>>
      %dma_wait3A_69 = arith.constant 0 : i32
      %dma_wait3A_70 = tpu.memref_slice %arg7[%mul3A_30, %dma_wait3A_69] : memref<135168x128xf32, #tpu.memory_space<hbm>> -> memref<128x128xf32, #tpu.memory_space<hbm>>
      tpu.wait_dma2 semaphore(%run_scoped3A : memref<!tpu.dma_semaphore, #tpu.memory_space<semaphore_mem>>) src(%arg12 : memref<128x128xf32, #tpu.memory_space<vmem>>) dst(%dma_wait3A_70 : memref<128x128xf32, #tpu.memory_space<hbm>>)
      tpu.yield
    }) : () -> ()
    "tpu.region"() ({
      %run_scoped3A = tpu.sem_alloc : memref<!tpu.dma_semaphore, #tpu.memory_space<semaphore_mem>>
      %dma_start3A_63 = arith.constant 0 : i32
      %dma_start3A_64 = arith.constant 0 : i32
      %dma_start3A_65 = tpu.memref_slice %arg6[%add3A, %dma_start3A_63, %dma_start3A_64] : memref<32x1x128xi32, #tpu.memory_space<hbm>> -> memref<1x1x128xi32, #tpu.memory_space<hbm>>
      %dma_start3A_66 = tpu.memref_squeeze %dma_start3A_65 : memref<1x1x128xi32, #tpu.memory_space<hbm>> -> memref<1x128xi32, #tpu.memory_space<hbm>>
      %dma_start3A_67 = arith.constant 0 : i32
      %dma_start3A_68 = arith.constant 0 : i32
      %dma_start3A_69 = tpu.memref_slice %arg6[%add3A, %dma_start3A_67, %dma_start3A_68] : memref<32x1x128xi32, #tpu.memory_space<hbm>> -> memref<1x1x128xi32, #tpu.memory_space<hbm>>
      %dma_start3A_70 = tpu.memref_squeeze %dma_start3A_69 : memref<1x1x128xi32, #tpu.memory_space<hbm>> -> memref<1x128xi32, #tpu.memory_space<hbm>>
      tpu.enqueue_dma source(%dma_start3A_70 : memref<1x128xi32, #tpu.memory_space<hbm>>) target(%arg11 : memref<1x128xi32, #tpu.memory_space<vmem>>) target_semaphore(%run_scoped3A : memref<!tpu.dma_semaphore, #tpu.memory_space<semaphore_mem>>)
      %dma_wait3A_71 = arith.constant 0 : i32
      %dma_wait3A_72 = arith.constant 0 : i32
      %dma_wait3A_73 = tpu.memref_slice %arg6[%add3A, %dma_wait3A_71, %dma_wait3A_72] : memref<32x1x128xi32, #tpu.memory_space<hbm>> -> memref<1x1x128xi32, #tpu.memory_space<hbm>>
      %dma_wait3A_74 = tpu.memref_squeeze %dma_wait3A_73 : memref<1x1x128xi32, #tpu.memory_space<hbm>> -> memref<1x128xi32, #tpu.memory_space<hbm>>
      %dma_wait3A_75 = arith.constant 0 : i32
      %dma_wait3A_76 = arith.constant 0 : i32
      %dma_wait3A_77 = tpu.memref_slice %arg6[%add3A, %dma_wait3A_75, %dma_wait3A_76] : memref<32x1x128xi32, #tpu.memory_space<hbm>> -> memref<1x1x128xi32, #tpu.memory_space<hbm>>
      %dma_wait3A_78 = tpu.memref_squeeze %dma_wait3A_77 : memref<1x1x128xi32, #tpu.memory_space<hbm>> -> memref<1x128xi32, #tpu.memory_space<hbm>>
      tpu.wait_dma2 semaphore(%run_scoped3A : memref<!tpu.dma_semaphore, #tpu.memory_space<semaphore_mem>>) src(%dma_wait3A_78 : memref<1x128xi32, #tpu.memory_space<hbm>>) dst(%arg11 : memref<1x128xi32, #tpu.memory_space<vmem>>)
      tpu.yield
    }) : () -> ()
    %dma_start3A_31 = arith.constant 0 : i32
    %dma_start3A_32 = arith.constant 0 : i32
    %dma_start3A_33 = tpu.memref_slice %arg11[%dma_start3A_31, %dma_start3A_32] : memref<1x128xi32, #tpu.memory_space<vmem>> -> memref<1x128xi32, #tpu.memory_space<vmem>>
    %dma_start3A_34 = tpu.memref_squeeze %dma_start3A_33 : memref<1x128xi32, #tpu.memory_space<vmem>> -> memref<128xi32, #tpu.memory_space<vmem>>
    %dma_start3A_35 = arith.constant 0 : i32
    %dma_start3A_36 = arith.constant 0 : i32
    %dma_start3A_37 = tpu.memref_slice %arg3[%dma_start3A_35, %dma_start3A_36] : memref<500x128xf32, #tpu.memory_space<hbm>> -> memref<500x128xf32, #tpu.memory_space<hbm>>
    tpu.enqueue_indirect_dma source(%dma_start3A_37 : memref<500x128xf32, #tpu.memory_space<hbm>>) target(%arg12 : memref<128x128xf32, #tpu.memory_space<vmem>>) offsets(%dma_start3A_34 : memref<128xi32, #tpu.memory_space<vmem>>) semaphore(%arg14 : memref<!tpu.dma_semaphore, #tpu.memory_space<semaphore_mem>>)
    %dma_wait3A_38 = arith.constant 0 : i32
    %dma_wait3A_39 = arith.constant 0 : i32
    %dma_wait3A_40 = tpu.memref_slice %arg11[%dma_wait3A_38, %dma_wait3A_39] : memref<1x128xi32, #tpu.memory_space<vmem>> -> memref<1x128xi32, #tpu.memory_space<vmem>>
    %dma_wait3A_41 = tpu.memref_squeeze %dma_wait3A_40 : memref<1x128xi32, #tpu.memory_space<vmem>> -> memref<128xi32, #tpu.memory_space<vmem>>
    %dma_wait3A_42 = arith.constant 0 : i32
    %dma_wait3A_43 = arith.constant 0 : i32
    %dma_wait3A_44 = tpu.memref_slice %arg3[%dma_wait3A_42, %dma_wait3A_43] : memref<500x128xf32, #tpu.memory_space<hbm>> -> memref<500x128xf32, #tpu.memory_space<hbm>>
    tpu.wait_indirect_dma semaphore(%arg14 : memref<!tpu.dma_semaphore, #tpu.memory_space<semaphore_mem>>) src(%dma_wait3A_44 : memref<500x128xf32, #tpu.memory_space<hbm>>) dst(%arg12 : memref<128x128xf32, #tpu.memory_space<vmem>>)
    %mul3A_45 = arith.constant 128 : i32
    %mul3A_46 = arith.muli %add3A, %mul3A_45 : i32
    "tpu.region"() ({
      %run_scoped3A = tpu.sem_alloc : memref<!tpu.dma_semaphore, #tpu.memory_space<semaphore_mem>>
      %dma_start3A_63 = arith.constant 0 : i32
      %dma_start3A_64 = tpu.memref_slice %arg8[%mul3A_46, %dma_start3A_63] : memref<4096x128xf32, #tpu.memory_space<hbm>> -> memref<128x128xf32, #tpu.memory_space<hbm>>
      %dma_start3A_65 = arith.constant 0 : i32
      %dma_start3A_66 = tpu.memref_slice %arg8[%mul3A_46, %dma_start3A_65] : memref<4096x128xf32, #tpu.memory_space<hbm>> -> memref<128x128xf32, #tpu.memory_space<hbm>>
      tpu.enqueue_dma source(%arg12 : memref<128x128xf32, #tpu.memory_space<vmem>>) target(%dma_start3A_66 : memref<128x128xf32, #tpu.memory_space<hbm>>) target_semaphore(%run_scoped3A : memref<!tpu.dma_semaphore, #tpu.memory_space<semaphore_mem>>)
      %dma_wait3A_67 = arith.constant 0 : i32
      %dma_wait3A_68 = tpu.memref_slice %arg8[%mul3A_46, %dma_wait3A_67] : memref<4096x128xf32, #tpu.memory_space<hbm>> -> memref<128x128xf32, #tpu.memory_space<hbm>>
      %dma_wait3A_69 = arith.constant 0 : i32
      %dma_wait3A_70 = tpu.memref_slice %arg8[%mul3A_46, %dma_wait3A_69] : memref<4096x128xf32, #tpu.memory_space<hbm>> -> memref<128x128xf32, #tpu.memory_space<hbm>>
      tpu.wait_dma2 semaphore(%run_scoped3A : memref<!tpu.dma_semaphore, #tpu.memory_space<semaphore_mem>>) src(%arg12 : memref<128x128xf32, #tpu.memory_space<vmem>>) dst(%dma_wait3A_70 : memref<128x128xf32, #tpu.memory_space<hbm>>)
      tpu.yield
    }) : () -> ()
    %dma_start3A_47 = arith.constant 0 : i32
    %dma_start3A_48 = arith.constant 0 : i32
    %dma_start3A_49 = tpu.memref_slice %arg11[%dma_start3A_47, %dma_start3A_48] : memref<1x128xi32, #tpu.memory_space<vmem>> -> memref<1x128xi32, #tpu.memory_space<vmem>>
    %dma_start3A_50 = tpu.memref_squeeze %dma_start3A_49 : memref<1x128xi32, #tpu.memory_space<vmem>> -> memref<128xi32, #tpu.memory_space<vmem>>
    %dma_start3A_51 = arith.constant 0 : i32
    %dma_start3A_52 = arith.constant 0 : i32
    %dma_start3A_53 = tpu.memref_slice %arg4[%dma_start3A_51, %dma_start3A_52] : memref<500x128xf32, #tpu.memory_space<hbm>> -> memref<500x128xf32, #tpu.memory_space<hbm>>
    tpu.enqueue_indirect_dma source(%dma_start3A_53 : memref<500x128xf32, #tpu.memory_space<hbm>>) target(%arg13 : memref<128x128xf32, #tpu.memory_space<vmem>>) offsets(%dma_start3A_50 : memref<128xi32, #tpu.memory_space<vmem>>) semaphore(%arg15 : memref<!tpu.dma_semaphore, #tpu.memory_space<semaphore_mem>>)
    %dma_wait3A_54 = arith.constant 0 : i32
    %dma_wait3A_55 = arith.constant 0 : i32
    %dma_wait3A_56 = tpu.memref_slice %arg11[%dma_wait3A_54, %dma_wait3A_55] : memref<1x128xi32, #tpu.memory_space<vmem>> -> memref<1x128xi32, #tpu.memory_space<vmem>>
    %dma_wait3A_57 = tpu.memref_squeeze %dma_wait3A_56 : memref<1x128xi32, #tpu.memory_space<vmem>> -> memref<128xi32, #tpu.memory_space<vmem>>
    %dma_wait3A_58 = arith.constant 0 : i32
    %dma_wait3A_59 = arith.constant 0 : i32
    %dma_wait3A_60 = tpu.memref_slice %arg4[%dma_wait3A_58, %dma_wait3A_59] : memref<500x128xf32, #tpu.memory_space<hbm>> -> memref<500x128xf32, #tpu.memory_space<hbm>>
    tpu.wait_indirect_dma semaphore(%arg15 : memref<!tpu.dma_semaphore, #tpu.memory_space<semaphore_mem>>) src(%dma_wait3A_60 : memref<500x128xf32, #tpu.memory_space<hbm>>) dst(%arg13 : memref<128x128xf32, #tpu.memory_space<vmem>>)
    %mul3A_61 = arith.constant 128 : i32
    %mul3A_62 = arith.muli %add3A, %mul3A_61 : i32
    "tpu.region"() ({
      %run_scoped3A = tpu.sem_alloc : memref<!tpu.dma_semaphore, #tpu.memory_space<semaphore_mem>>
      %dma_start3A_63 = arith.constant 0 : i32
      %dma_start3A_64 = tpu.memref_slice %arg9[%mul3A_62, %dma_start3A_63] : memref<4096x128xf32, #tpu.memory_space<hbm>> -> memref<128x128xf32, #tpu.memory_space<hbm>>
      %dma_start3A_65 = arith.constant 0 : i32
      %dma_start3A_66 = tpu.memref_slice %arg9[%mul3A_62, %dma_start3A_65] : memref<4096x128xf32, #tpu.memory_space<hbm>> -> memref<128x128xf32, #tpu.memory_space<hbm>>
      tpu.enqueue_dma source(%arg13 : memref<128x128xf32, #tpu.memory_space<vmem>>) target(%dma_start3A_66 : memref<128x128xf32, #tpu.memory_space<hbm>>) target_semaphore(%run_scoped3A : memref<!tpu.dma_semaphore, #tpu.memory_space<semaphore_mem>>)
      %dma_wait3A_67 = arith.constant 0 : i32
      %dma_wait3A_68 = tpu.memref_slice %arg9[%mul3A_62, %dma_wait3A_67] : memref<4096x128xf32, #tpu.memory_space<hbm>> -> memref<128x128xf32, #tpu.memory_space<hbm>>
      %dma_wait3A_69 = arith.constant 0 : i32
      %dma_wait3A_70 = tpu.memref_slice %arg9[%mul3A_62, %dma_wait3A_69] : memref<4096x128xf32, #tpu.memory_space<hbm>> -> memref<128x128xf32, #tpu.memory_space<hbm>>
      tpu.wait_dma2 semaphore(%run_scoped3A : memref<!tpu.dma_semaphore, #tpu.memory_space<semaphore_mem>>) src(%arg13 : memref<128x128xf32, #tpu.memory_space<vmem>>) dst(%dma_wait3A_70 : memref<128x128xf32, #tpu.memory_space<hbm>>)
      tpu.yield
    }) : () -> ()
    return
  }
}

#map = affine_map<(d0, d1) -> (0, 0)>
#map1 = affine_map<(d0, d1) -> (0, 0, 0)>
module attributes {stable_mosaic.version = 14 : i64} {
  func.func @gather_k(%arg0: i32, %arg1: i32, %arg2: memref<503424x128xf32, #tpu.memory_space<hbm>>, %arg3: memref<32x33x128xi32, #tpu.memory_space<hbm>>, %arg4: memref<135168x128xf32, #tpu.memory_space<hbm>>, %arg5: memref<33x128xi32, #tpu.memory_space<vmem>>, %arg6: memref<1x128xi32, #tpu.memory_space<vmem>>, %arg7: memref<128x128xf32, #tpu.memory_space<vmem>>, %arg8: memref<128x128xf32, #tpu.memory_space<vmem>>, %arg9: memref<!tpu.dma_semaphore, #tpu.memory_space<semaphore_mem>>, %arg10: memref<!tpu.dma_semaphore, #tpu.memory_space<semaphore_mem>>) attributes {dimension_semantics = [#tpu.dimension_semantics<core_parallel>, #tpu.dimension_semantics<subcore_parallel>], iteration_bounds = array<i64: 2, 16>, scalar_prefetch = 0 : i64, scratch_operands = 6 : i64, tpu.core_type = #tpu.core_type<sc_vector_subcore>, window_params = [{transform_indices = #map}, {transform_indices = #map1}, {transform_indices = #map}]} {
    %mul3A = arith.constant 2 : i32
    %mul3A_0 = arith.muli %arg1, %mul3A : i32
    %add3A = arith.addi %mul3A_0, %arg0 : i32
    %mul3A_1 = arith.constant 33 : i32
    %mul3A_2 = arith.muli %add3A, %mul3A_1 : i32
    "tpu.region"() ({
      %run_scoped3A = tpu.sem_alloc : memref<!tpu.dma_semaphore, #tpu.memory_space<semaphore_mem>>
      %dma_start3A_31 = arith.constant 0 : i32
      %dma_start3A_32 = arith.constant 0 : i32
      %dma_start3A_33 = tpu.memref_slice %arg3[%add3A, %dma_start3A_31, %dma_start3A_32] : memref<32x33x128xi32, #tpu.memory_space<hbm>> -> memref<1x33x128xi32, #tpu.memory_space<hbm>>
      %dma_start3A_34 = tpu.memref_squeeze %dma_start3A_33 : memref<1x33x128xi32, #tpu.memory_space<hbm>> -> memref<33x128xi32, #tpu.memory_space<hbm>>
      %dma_start3A_35 = arith.constant 0 : i32
      %dma_start3A_36 = arith.constant 0 : i32
      %dma_start3A_37 = tpu.memref_slice %arg3[%add3A, %dma_start3A_35, %dma_start3A_36] : memref<32x33x128xi32, #tpu.memory_space<hbm>> -> memref<1x33x128xi32, #tpu.memory_space<hbm>>
      %dma_start3A_38 = tpu.memref_squeeze %dma_start3A_37 : memref<1x33x128xi32, #tpu.memory_space<hbm>> -> memref<33x128xi32, #tpu.memory_space<hbm>>
      tpu.enqueue_dma source(%dma_start3A_38 : memref<33x128xi32, #tpu.memory_space<hbm>>) target(%arg5 : memref<33x128xi32, #tpu.memory_space<vmem>>) target_semaphore(%run_scoped3A : memref<!tpu.dma_semaphore, #tpu.memory_space<semaphore_mem>>)
      %dma_wait3A_39 = arith.constant 0 : i32
      %dma_wait3A_40 = arith.constant 0 : i32
      %dma_wait3A_41 = tpu.memref_slice %arg3[%add3A, %dma_wait3A_39, %dma_wait3A_40] : memref<32x33x128xi32, #tpu.memory_space<hbm>> -> memref<1x33x128xi32, #tpu.memory_space<hbm>>
      %dma_wait3A_42 = tpu.memref_squeeze %dma_wait3A_41 : memref<1x33x128xi32, #tpu.memory_space<hbm>> -> memref<33x128xi32, #tpu.memory_space<hbm>>
      %dma_wait3A_43 = arith.constant 0 : i32
      %dma_wait3A_44 = arith.constant 0 : i32
      %dma_wait3A_45 = tpu.memref_slice %arg3[%add3A, %dma_wait3A_43, %dma_wait3A_44] : memref<32x33x128xi32, #tpu.memory_space<hbm>> -> memref<1x33x128xi32, #tpu.memory_space<hbm>>
      %dma_wait3A_46 = tpu.memref_squeeze %dma_wait3A_45 : memref<1x33x128xi32, #tpu.memory_space<hbm>> -> memref<33x128xi32, #tpu.memory_space<hbm>>
      tpu.wait_dma2 semaphore(%run_scoped3A : memref<!tpu.dma_semaphore, #tpu.memory_space<semaphore_mem>>) src(%dma_wait3A_46 : memref<33x128xi32, #tpu.memory_space<hbm>>) dst(%arg5 : memref<33x128xi32, #tpu.memory_space<vmem>>)
      tpu.yield
    }) : () -> ()
    %dma_start3A = arith.constant 0 : i32
    %dma_start3A_3 = arith.constant 0 : i32
    %dma_start3A_4 = tpu.memref_slice %arg5[%dma_start3A, %dma_start3A_3] : memref<33x128xi32, #tpu.memory_space<vmem>> -> memref<1x128xi32, #tpu.memory_space<vmem>>
    %dma_start3A_5 = tpu.memref_squeeze %dma_start3A_4 : memref<1x128xi32, #tpu.memory_space<vmem>> -> memref<128xi32, #tpu.memory_space<vmem>>
    %dma_start3A_6 = arith.constant 0 : i32
    %dma_start3A_7 = arith.constant 0 : i32
    %dma_start3A_8 = tpu.memref_slice %arg2[%dma_start3A_6, %dma_start3A_7] : memref<503424x128xf32, #tpu.memory_space<hbm>> -> memref<503424x128xf32, #tpu.memory_space<hbm>>
    tpu.enqueue_indirect_dma source(%dma_start3A_8 : memref<503424x128xf32, #tpu.memory_space<hbm>>) target(%arg7 : memref<128x128xf32, #tpu.memory_space<vmem>>) offsets(%dma_start3A_5 : memref<128xi32, #tpu.memory_space<vmem>>) semaphore(%arg9 : memref<!tpu.dma_semaphore, #tpu.memory_space<semaphore_mem>>)
    %scan3A = arith.constant 0 : i32
    %scan3A_9 = arith.constant 0 : i32
    %scan3A_10 = arith.constant 16 : i32
    %scan3A_11 = arith.addi %scan3A_9, %scan3A_10 : i32
    %scan3A_12 = arith.constant 1 : i32
    scf.for %scan3A_31 = %scan3A_9 to %scan3A_11 step %scan3A_12  : i32 {
      %mul3A_32 = arith.constant 2 : i32
      %mul3A_33 = arith.muli %mul3A_32, %scan3A_31 : i32
      %add3A_34 = arith.constant 1 : i32
      %add3A_35 = arith.addi %mul3A_33, %add3A_34 : i32
      %dma_start3A_36 = arith.constant 0 : i32
      %dma_start3A_37 = tpu.memref_slice %arg5[%add3A_35, %dma_start3A_36] : memref<33x128xi32, #tpu.memory_space<vmem>> -> memref<1x128xi32, #tpu.memory_space<vmem>>
      %dma_start3A_38 = tpu.memref_squeeze %dma_start3A_37 : memref<1x128xi32, #tpu.memory_space<vmem>> -> memref<128xi32, #tpu.memory_space<vmem>>
      %dma_start3A_39 = arith.constant 0 : i32
      %dma_start3A_40 = arith.constant 0 : i32
      %dma_start3A_41 = tpu.memref_slice %arg2[%dma_start3A_39, %dma_start3A_40] : memref<503424x128xf32, #tpu.memory_space<hbm>> -> memref<503424x128xf32, #tpu.memory_space<hbm>>
      tpu.enqueue_indirect_dma source(%dma_start3A_41 : memref<503424x128xf32, #tpu.memory_space<hbm>>) target(%arg8 : memref<128x128xf32, #tpu.memory_space<vmem>>) offsets(%dma_start3A_38 : memref<128xi32, #tpu.memory_space<vmem>>) semaphore(%arg10 : memref<!tpu.dma_semaphore, #tpu.memory_space<semaphore_mem>>)
      %dma_wait3A_42 = arith.constant 0 : i32
      %dma_wait3A_43 = tpu.memref_slice %arg5[%mul3A_33, %dma_wait3A_42] : memref<33x128xi32, #tpu.memory_space<vmem>> -> memref<1x128xi32, #tpu.memory_space<vmem>>
      %dma_wait3A_44 = tpu.memref_squeeze %dma_wait3A_43 : memref<1x128xi32, #tpu.memory_space<vmem>> -> memref<128xi32, #tpu.memory_space<vmem>>
      %dma_wait3A_45 = arith.constant 0 : i32
      %dma_wait3A_46 = arith.constant 0 : i32
      %dma_wait3A_47 = tpu.memref_slice %arg2[%dma_wait3A_45, %dma_wait3A_46] : memref<503424x128xf32, #tpu.memory_space<hbm>> -> memref<503424x128xf32, #tpu.memory_space<hbm>>
      tpu.wait_indirect_dma semaphore(%arg9 : memref<!tpu.dma_semaphore, #tpu.memory_space<semaphore_mem>>) src(%dma_wait3A_47 : memref<503424x128xf32, #tpu.memory_space<hbm>>) dst(%arg7 : memref<128x128xf32, #tpu.memory_space<vmem>>)
      %add3A_48 = arith.addi %mul3A_2, %mul3A_33 : i32
      %mul3A_49 = arith.constant 128 : i32
      %mul3A_50 = arith.muli %add3A_48, %mul3A_49 : i32
      "tpu.region"() ({
        %run_scoped3A = tpu.sem_alloc : memref<!tpu.dma_semaphore, #tpu.memory_space<semaphore_mem>>
        %dma_start3A_66 = arith.constant 0 : i32
        %dma_start3A_67 = tpu.memref_slice %arg4[%mul3A_50, %dma_start3A_66] : memref<135168x128xf32, #tpu.memory_space<hbm>> -> memref<128x128xf32, #tpu.memory_space<hbm>>
        %dma_start3A_68 = arith.constant 0 : i32
        %dma_start3A_69 = tpu.memref_slice %arg4[%mul3A_50, %dma_start3A_68] : memref<135168x128xf32, #tpu.memory_space<hbm>> -> memref<128x128xf32, #tpu.memory_space<hbm>>
        tpu.enqueue_dma source(%arg7 : memref<128x128xf32, #tpu.memory_space<vmem>>) target(%dma_start3A_69 : memref<128x128xf32, #tpu.memory_space<hbm>>) target_semaphore(%run_scoped3A : memref<!tpu.dma_semaphore, #tpu.memory_space<semaphore_mem>>)
        %dma_wait3A_70 = arith.constant 0 : i32
        %dma_wait3A_71 = tpu.memref_slice %arg4[%mul3A_50, %dma_wait3A_70] : memref<135168x128xf32, #tpu.memory_space<hbm>> -> memref<128x128xf32, #tpu.memory_space<hbm>>
        %dma_wait3A_72 = arith.constant 0 : i32
        %dma_wait3A_73 = tpu.memref_slice %arg4[%mul3A_50, %dma_wait3A_72] : memref<135168x128xf32, #tpu.memory_space<hbm>> -> memref<128x128xf32, #tpu.memory_space<hbm>>
        tpu.wait_dma2 semaphore(%run_scoped3A : memref<!tpu.dma_semaphore, #tpu.memory_space<semaphore_mem>>) src(%arg7 : memref<128x128xf32, #tpu.memory_space<vmem>>) dst(%dma_wait3A_73 : memref<128x128xf32, #tpu.memory_space<hbm>>)
        tpu.yield
      }) : () -> ()
      %lt3A = arith.constant 15 : i32
      %lt3A_51 = arith.cmpi slt, %scan3A_31, %lt3A : i32
      %convert_element_type3A = arith.extui %lt3A_51 : i1 to i32
      %cond3A = arith.constant 0 : i32
      %cond3A_52 = arith.cmpi ne, %convert_element_type3A, %cond3A : i32
      scf.if %cond3A_52 {
        %add3A_66 = arith.constant 2 : i32
        %add3A_67 = arith.addi %mul3A_33, %add3A_66 : i32
        %dma_start3A_68 = arith.constant 0 : i32
        %dma_start3A_69 = tpu.memref_slice %arg5[%add3A_67, %dma_start3A_68] : memref<33x128xi32, #tpu.memory_space<vmem>> -> memref<1x128xi32, #tpu.memory_space<vmem>>
        %dma_start3A_70 = tpu.memref_squeeze %dma_start3A_69 : memref<1x128xi32, #tpu.memory_space<vmem>> -> memref<128xi32, #tpu.memory_space<vmem>>
        %dma_start3A_71 = arith.constant 0 : i32
        %dma_start3A_72 = arith.constant 0 : i32
        %dma_start3A_73 = tpu.memref_slice %arg2[%dma_start3A_71, %dma_start3A_72] : memref<503424x128xf32, #tpu.memory_space<hbm>> -> memref<503424x128xf32, #tpu.memory_space<hbm>>
        tpu.enqueue_indirect_dma source(%dma_start3A_73 : memref<503424x128xf32, #tpu.memory_space<hbm>>) target(%arg7 : memref<128x128xf32, #tpu.memory_space<vmem>>) offsets(%dma_start3A_70 : memref<128xi32, #tpu.memory_space<vmem>>) semaphore(%arg9 : memref<!tpu.dma_semaphore, #tpu.memory_space<semaphore_mem>>)
      } else {
      }
      %add3A_53 = arith.constant 1 : i32
      %add3A_54 = arith.addi %mul3A_33, %add3A_53 : i32
      %dma_wait3A_55 = arith.constant 0 : i32
      %dma_wait3A_56 = tpu.memref_slice %arg5[%add3A_54, %dma_wait3A_55] : memref<33x128xi32, #tpu.memory_space<vmem>> -> memref<1x128xi32, #tpu.memory_space<vmem>>
      %dma_wait3A_57 = tpu.memref_squeeze %dma_wait3A_56 : memref<1x128xi32, #tpu.memory_space<vmem>> -> memref<128xi32, #tpu.memory_space<vmem>>
      %dma_wait3A_58 = arith.constant 0 : i32
      %dma_wait3A_59 = arith.constant 0 : i32
      %dma_wait3A_60 = tpu.memref_slice %arg2[%dma_wait3A_58, %dma_wait3A_59] : memref<503424x128xf32, #tpu.memory_space<hbm>> -> memref<503424x128xf32, #tpu.memory_space<hbm>>
      tpu.wait_indirect_dma semaphore(%arg10 : memref<!tpu.dma_semaphore, #tpu.memory_space<semaphore_mem>>) src(%dma_wait3A_60 : memref<503424x128xf32, #tpu.memory_space<hbm>>) dst(%arg8 : memref<128x128xf32, #tpu.memory_space<vmem>>)
      %add3A_61 = arith.addi %mul3A_2, %mul3A_33 : i32
      %add3A_62 = arith.constant 1 : i32
      %add3A_63 = arith.addi %add3A_61, %add3A_62 : i32
      %mul3A_64 = arith.constant 128 : i32
      %mul3A_65 = arith.muli %add3A_63, %mul3A_64 : i32
      "tpu.region"() ({
        %run_scoped3A = tpu.sem_alloc : memref<!tpu.dma_semaphore, #tpu.memory_space<semaphore_mem>>
        %dma_start3A_66 = arith.constant 0 : i32
        %dma_start3A_67 = tpu.memref_slice %arg4[%mul3A_65, %dma_start3A_66] : memref<135168x128xf32, #tpu.memory_space<hbm>> -> memref<128x128xf32, #tpu.memory_space<hbm>>
        %dma_start3A_68 = arith.constant 0 : i32
        %dma_start3A_69 = tpu.memref_slice %arg4[%mul3A_65, %dma_start3A_68] : memref<135168x128xf32, #tpu.memory_space<hbm>> -> memref<128x128xf32, #tpu.memory_space<hbm>>
        tpu.enqueue_dma source(%arg8 : memref<128x128xf32, #tpu.memory_space<vmem>>) target(%dma_start3A_69 : memref<128x128xf32, #tpu.memory_space<hbm>>) target_semaphore(%run_scoped3A : memref<!tpu.dma_semaphore, #tpu.memory_space<semaphore_mem>>)
        %dma_wait3A_70 = arith.constant 0 : i32
        %dma_wait3A_71 = tpu.memref_slice %arg4[%mul3A_65, %dma_wait3A_70] : memref<135168x128xf32, #tpu.memory_space<hbm>> -> memref<128x128xf32, #tpu.memory_space<hbm>>
        %dma_wait3A_72 = arith.constant 0 : i32
        %dma_wait3A_73 = tpu.memref_slice %arg4[%mul3A_65, %dma_wait3A_72] : memref<135168x128xf32, #tpu.memory_space<hbm>> -> memref<128x128xf32, #tpu.memory_space<hbm>>
        tpu.wait_dma2 semaphore(%run_scoped3A : memref<!tpu.dma_semaphore, #tpu.memory_space<semaphore_mem>>) src(%arg8 : memref<128x128xf32, #tpu.memory_space<vmem>>) dst(%dma_wait3A_73 : memref<128x128xf32, #tpu.memory_space<hbm>>)
        tpu.yield
      }) : () -> ()
    }
    %scan3A_13 = arith.constant 16 : i32
    %dma_start3A_14 = arith.constant 32 : i32
    %dma_start3A_15 = arith.constant 0 : i32
    %dma_start3A_16 = tpu.memref_slice %arg5[%dma_start3A_14, %dma_start3A_15] : memref<33x128xi32, #tpu.memory_space<vmem>> -> memref<1x128xi32, #tpu.memory_space<vmem>>
    %dma_start3A_17 = tpu.memref_squeeze %dma_start3A_16 : memref<1x128xi32, #tpu.memory_space<vmem>> -> memref<128xi32, #tpu.memory_space<vmem>>
    %dma_start3A_18 = arith.constant 0 : i32
    %dma_start3A_19 = arith.constant 0 : i32
    %dma_start3A_20 = tpu.memref_slice %arg2[%dma_start3A_18, %dma_start3A_19] : memref<503424x128xf32, #tpu.memory_space<hbm>> -> memref<503424x128xf32, #tpu.memory_space<hbm>>
    tpu.enqueue_indirect_dma source(%dma_start3A_20 : memref<503424x128xf32, #tpu.memory_space<hbm>>) target(%arg7 : memref<128x128xf32, #tpu.memory_space<vmem>>) offsets(%dma_start3A_17 : memref<128xi32, #tpu.memory_space<vmem>>) semaphore(%arg9 : memref<!tpu.dma_semaphore, #tpu.memory_space<semaphore_mem>>)
    %dma_wait3A = arith.constant 32 : i32
    %dma_wait3A_21 = arith.constant 0 : i32
    %dma_wait3A_22 = tpu.memref_slice %arg5[%dma_wait3A, %dma_wait3A_21] : memref<33x128xi32, #tpu.memory_space<vmem>> -> memref<1x128xi32, #tpu.memory_space<vmem>>
    %dma_wait3A_23 = tpu.memref_squeeze %dma_wait3A_22 : memref<1x128xi32, #tpu.memory_space<vmem>> -> memref<128xi32, #tpu.memory_space<vmem>>
    %dma_wait3A_24 = arith.constant 0 : i32
    %dma_wait3A_25 = arith.constant 0 : i32
    %dma_wait3A_26 = tpu.memref_slice %arg2[%dma_wait3A_24, %dma_wait3A_25] : memref<503424x128xf32, #tpu.memory_space<hbm>> -> memref<503424x128xf32, #tpu.memory_space<hbm>>
    tpu.wait_indirect_dma semaphore(%arg9 : memref<!tpu.dma_semaphore, #tpu.memory_space<semaphore_mem>>) src(%dma_wait3A_26 : memref<503424x128xf32, #tpu.memory_space<hbm>>) dst(%arg7 : memref<128x128xf32, #tpu.memory_space<vmem>>)
    %add3A_27 = arith.constant 32 : i32
    %add3A_28 = arith.addi %mul3A_2, %add3A_27 : i32
    %mul3A_29 = arith.constant 128 : i32
    %mul3A_30 = arith.muli %add3A_28, %mul3A_29 : i32
    "tpu.region"() ({
      %run_scoped3A = tpu.sem_alloc : memref<!tpu.dma_semaphore, #tpu.memory_space<semaphore_mem>>
      %dma_start3A_31 = arith.constant 0 : i32
      %dma_start3A_32 = tpu.memref_slice %arg4[%mul3A_30, %dma_start3A_31] : memref<135168x128xf32, #tpu.memory_space<hbm>> -> memref<128x128xf32, #tpu.memory_space<hbm>>
      %dma_start3A_33 = arith.constant 0 : i32
      %dma_start3A_34 = tpu.memref_slice %arg4[%mul3A_30, %dma_start3A_33] : memref<135168x128xf32, #tpu.memory_space<hbm>> -> memref<128x128xf32, #tpu.memory_space<hbm>>
      tpu.enqueue_dma source(%arg7 : memref<128x128xf32, #tpu.memory_space<vmem>>) target(%dma_start3A_34 : memref<128x128xf32, #tpu.memory_space<hbm>>) target_semaphore(%run_scoped3A : memref<!tpu.dma_semaphore, #tpu.memory_space<semaphore_mem>>)
      %dma_wait3A_35 = arith.constant 0 : i32
      %dma_wait3A_36 = tpu.memref_slice %arg4[%mul3A_30, %dma_wait3A_35] : memref<135168x128xf32, #tpu.memory_space<hbm>> -> memref<128x128xf32, #tpu.memory_space<hbm>>
      %dma_wait3A_37 = arith.constant 0 : i32
      %dma_wait3A_38 = tpu.memref_slice %arg4[%mul3A_30, %dma_wait3A_37] : memref<135168x128xf32, #tpu.memory_space<hbm>> -> memref<128x128xf32, #tpu.memory_space<hbm>>
      tpu.wait_dma2 semaphore(%run_scoped3A : memref<!tpu.dma_semaphore, #tpu.memory_space<semaphore_mem>>) src(%arg7 : memref<128x128xf32, #tpu.memory_space<vmem>>) dst(%dma_wait3A_38 : memref<128x128xf32, #tpu.memory_space<hbm>>)
      tpu.yield
    }) : () -> ()
    return
  }
}

module attributes {stable_mosaic.version = 14 : i64} {
  func.func @body(%arg0: i32, %arg1: memref<64x7296xf32, #tpu.memory_space<vmem>>, %arg2: memref<64x7296xf32, #tpu.memory_space<vmem>>, %arg3: memref<7296x128xf32, #tpu.memory_space<vmem>>) attributes {dimension_semantics = [#tpu.dimension_semantics<arbitrary>], iteration_bounds = array<i64: 69>, scalar_prefetch = 0 : i64, scratch_operands = 0 : i64, tpu.core_type = #tpu.core_type<tc>, window_params = [{transform_indices = @transform_0, window_bounds = array<i64: 64, 7296>}, {transform_indices = @transform_1, window_bounds = array<i64: 64, 7296>}, {transform_indices = @transform_2, window_bounds = array<i64: 7296, 128>}]} {
    %get3A = arith.constant 0 : index
    %get3A_0 = arith.constant 0 : index
    %get3A_1 = vector.load %arg1[%get3A, %get3A_0] : memref<64x7296xf32, #tpu.memory_space<vmem>>, vector<64x7296xf32>
    %transpose3A = tpu.transpose %get3A_1, [1, 0] : vector<64x7296xf32> -> vector<7296x64xf32>
    %swap3A = arith.constant 0 : index
    %swap3A_2 = arith.constant 0 : index
    %swap3A_3 = vector.load %arg3[%swap3A, %swap3A_2] : memref<7296x128xf32, #tpu.memory_space<vmem>>, vector<7296x64xf32>
    tpu.vector_store %arg3[%swap3A, %swap3A_2], %transpose3A {strides = array<i32>} : memref<7296x128xf32, #tpu.memory_space<vmem>>, vector<7296x64xf32>,
    %get3A_4 = arith.constant 0 : index
    %get3A_5 = arith.constant 0 : index
    %get3A_6 = vector.load %arg2[%get3A_4, %get3A_5] : memref<64x7296xf32, #tpu.memory_space<vmem>>, vector<64x7296xf32>
    %transpose3A_7 = tpu.transpose %get3A_6, [1, 0] : vector<64x7296xf32> -> vector<7296x64xf32>
    %swap3A_8 = arith.constant 0 : index
    %swap3A_9 = arith.constant 64 : index
    %swap3A_10 = vector.load %arg3[%swap3A_8, %swap3A_9] : memref<7296x128xf32, #tpu.memory_space<vmem>>, vector<7296x64xf32>
    tpu.vector_store %arg3[%swap3A_8, %swap3A_9], %transpose3A_7 {strides = array<i32>} : memref<7296x128xf32, #tpu.memory_space<vmem>>, vector<7296x64xf32>,
    return
  }
  func.func @transform_0(%arg0: i32) -> (i32, i32) {
    %c0_i32 = arith.constant 0 : i32
    %c0_i32_0 = arith.constant 0 : i32
    return %c0_i32, %arg0 : i32, i32
  }
  func.func @transform_1(%arg0: i32) -> (i32, i32) {
    %add3A = arith.constant 69 : i32
    %add3A_0 = arith.addi %arg0, %add3A : i32
    %c0_i32 = arith.constant 0 : i32
    %c0_i32_1 = arith.constant 0 : i32
    return %c0_i32, %add3A_0 : i32, i32
  }
  func.func @transform_2(%arg0: i32) -> (i32, i32) {
    %c0_i32 = arith.constant 0 : i32
    %c0_i32_0 = arith.constant 0 : i32
    return %arg0, %c0_i32 : i32, i32
  }
}

module attributes {stable_mosaic.version = 14 : i64} {
  func.func @body(%arg0: i32, %arg1: memref<128x128xf32, #tpu.memory_space<vmem>>, %arg2: memref<128x128xf32, #tpu.memory_space<vmem>>, %arg3: memref<4096x128xf32, #tpu.memory_space<vmem>>, %arg4: memref<4096x128xf32, #tpu.memory_space<vmem>>, %arg5: memref<128x128xf32, #tpu.memory_space<vmem>>, %arg6: memref<128x128xf32, #tpu.memory_space<vmem>>, %arg7: memref<128x128xf32, #tpu.memory_space<vmem>>, %arg8: memref<128x32xf32, #tpu.memory_space<vmem>>, %arg9: memref<128x32xf32, #tpu.memory_space<vmem>>, %arg10: memref<1x4xf32, #tpu.memory_space<smem>>, %arg11: memref<1x1xf32, #tpu.memory_space<smem>>, %arg12: memref<1x1xf32, #tpu.memory_space<smem>>, %arg13: memref<1x1xf32, #tpu.memory_space<smem>>, %arg14: memref<1x1xf32, #tpu.memory_space<smem>>) attributes {dimension_semantics = [#tpu.dimension_semantics<arbitrary>], iteration_bounds = array<i64: 16>, scalar_prefetch = 0 : i64, scratch_operands = 4 : i64, tpu.core_type = #tpu.core_type<tc>, window_params = [{transform_indices = @transform_0, window_bounds = array<i64: 128, 128>}, {transform_indices = @transform_1, window_bounds = array<i64: 128, 128>}, {transform_indices = @transform_2, window_bounds = array<i64: 4096, 128>}, {transform_indices = @transform_3, window_bounds = array<i64: 4096, 128>}, {transform_indices = @transform_4, window_bounds = array<i64: 128, 128>}, {transform_indices = @transform_5, window_bounds = array<i64: 128, 128>}, {transform_indices = @transform_6, window_bounds = array<i64: 128, 128>}, {transform_indices = @transform_7, window_bounds = array<i64: 128, 32>}, {transform_indices = @transform_8, window_bounds = array<i64: 128, 32>}, {transform_indices = @transform_9, window_bounds = array<i64: 1, 4>}]} {
    %eq3A = arith.constant 0 : i32
    %eq3A_0 = arith.cmpi eq, %arg0, %eq3A : i32
    %convert_element_type3A = arith.extui %eq3A_0 : i1 to i32
    %cond3A = arith.constant 0 : i32
    %cond3A_1 = arith.cmpi ne, %convert_element_type3A, %cond3A : i32
    scf.if %cond3A_1 {
      %swap3A_229 = arith.constant 0.000000e+00 : f32
      %swap3A_230 = arith.constant 0 : index
      %swap3A_231 = arith.constant 0 : index
      %swap3A_232 = memref.load %arg11[%swap3A_230, %swap3A_231] : memref<1x1xf32, #tpu.memory_space<smem>>
      memref.store %swap3A_229, %arg11[%swap3A_230, %swap3A_231] : memref<1x1xf32, #tpu.memory_space<smem>>
      %swap3A_233 = arith.constant 0.000000e+00 : f32
      %swap3A_234 = arith.constant 0 : index
      %swap3A_235 = arith.constant 0 : index
      %swap3A_236 = memref.load %arg12[%swap3A_234, %swap3A_235] : memref<1x1xf32, #tpu.memory_space<smem>>
      memref.store %swap3A_233, %arg12[%swap3A_234, %swap3A_235] : memref<1x1xf32, #tpu.memory_space<smem>>
      %swap3A_237 = arith.constant 0.000000e+00 : f32
      %swap3A_238 = arith.constant 0 : index
      %swap3A_239 = arith.constant 0 : index
      %swap3A_240 = memref.load %arg13[%swap3A_238, %swap3A_239] : memref<1x1xf32, #tpu.memory_space<smem>>
      memref.store %swap3A_237, %arg13[%swap3A_238, %swap3A_239] : memref<1x1xf32, #tpu.memory_space<smem>>
      %swap3A_241 = arith.constant 0.000000e+00 : f32
      %swap3A_242 = arith.constant 0 : index
      %swap3A_243 = arith.constant 0 : index
      %swap3A_244 = memref.load %arg14[%swap3A_242, %swap3A_243] : memref<1x1xf32, #tpu.memory_space<smem>>
      memref.store %swap3A_241, %arg14[%swap3A_242, %swap3A_243] : memref<1x1xf32, #tpu.memory_space<smem>>
    } else {
    }
    %get3A = arith.constant 0 : index
    %get3A_2 = arith.constant 0 : index
    %get3A_3 = vector.load %arg7[%get3A, %get3A_2] : memref<128x128xf32, #tpu.memory_space<vmem>>, vector<128x128xf32>
    %get3A_4 = arith.constant 0 : index
    %get3A_5 = arith.constant 0 : index
    %get3A_6 = vector.load %arg1[%get3A_4, %get3A_5] : memref<128x128xf32, #tpu.memory_space<vmem>>, vector<128x128xf32>
    %slice3A = vector.extract_strided_slice %get3A_3 {offsets = [0, 0], sizes = [128, 1], strides = [1, 1]} : vector<128x128xf32> to vector<128x1xf32>
    %slice3A_7 = vector.extract_strided_slice %get3A_6 {offsets = [0, 0], sizes = [128, 64], strides = [1, 1]} : vector<128x128xf32> to vector<128x64xf32>
    %slice3A_8 = vector.extract_strided_slice %get3A_6 {offsets = [0, 64], sizes = [128, 64], strides = [1, 1]} : vector<128x128xf32> to vector<128x64xf32>
    %sub3A = arith.subf %slice3A_8, %slice3A_7 : vector<128x64xf32>
    %mul3A = vector.broadcast %slice3A : vector<128x1xf32> to vector<128x64xf32>
    %mul3A_9 = arith.mulf %mul3A, %sub3A : vector<128x64xf32>
    %add3A = arith.addf %slice3A_7, %mul3A_9 : vector<128x64xf32>
    %get3A_10 = arith.constant 0 : index
    %get3A_11 = arith.constant 0 : index
    %get3A_12 = vector.load %arg2[%get3A_10, %get3A_11] : memref<128x128xf32, #tpu.memory_space<vmem>>, vector<128x128xf32>
    %slice3A_13 = vector.extract_strided_slice %get3A_3 {offsets = [0, 1], sizes = [128, 1], strides = [1, 1]} : vector<128x128xf32> to vector<128x1xf32>
    %slice3A_14 = vector.extract_strided_slice %get3A_12 {offsets = [0, 0], sizes = [128, 64], strides = [1, 1]} : vector<128x128xf32> to vector<128x64xf32>
    %slice3A_15 = vector.extract_strided_slice %get3A_12 {offsets = [0, 64], sizes = [128, 64], strides = [1, 1]} : vector<128x128xf32> to vector<128x64xf32>
    %sub3A_16 = arith.subf %slice3A_15, %slice3A_14 : vector<128x64xf32>
    %mul3A_17 = vector.broadcast %slice3A_13 : vector<128x1xf32> to vector<128x64xf32>
    %mul3A_18 = arith.mulf %mul3A_17, %sub3A_16 : vector<128x64xf32>
    %add3A_19 = arith.addf %slice3A_14, %mul3A_18 : vector<128x64xf32>
    %get3A_20 = arith.constant 0 : index
    %get3A_21 = arith.constant 0 : index
    %get3A_22 = vector.load %arg5[%get3A_20, %get3A_21] : memref<128x128xf32, #tpu.memory_space<vmem>>, vector<128x128xf32>
    %slice3A_23 = vector.extract_strided_slice %get3A_3 {offsets = [0, 2], sizes = [128, 1], strides = [1, 1]} : vector<128x128xf32> to vector<128x1xf32>
    %slice3A_24 = vector.extract_strided_slice %get3A_22 {offsets = [0, 0], sizes = [128, 64], strides = [1, 1]} : vector<128x128xf32> to vector<128x64xf32>
    %slice3A_25 = vector.extract_strided_slice %get3A_22 {offsets = [0, 64], sizes = [128, 64], strides = [1, 1]} : vector<128x128xf32> to vector<128x64xf32>
    %sub3A_26 = arith.subf %slice3A_25, %slice3A_24 : vector<128x64xf32>
    %mul3A_27 = vector.broadcast %slice3A_23 : vector<128x1xf32> to vector<128x64xf32>
    %mul3A_28 = arith.mulf %mul3A_27, %sub3A_26 : vector<128x64xf32>
    %add3A_29 = arith.addf %slice3A_24, %mul3A_28 : vector<128x64xf32>
    %get3A_30 = arith.constant 0 : index
    %get3A_31 = arith.constant 0 : index
    %get3A_32 = vector.load %arg6[%get3A_30, %get3A_31] : memref<128x128xf32, #tpu.memory_space<vmem>>, vector<128x128xf32>
    %slice3A_33 = vector.extract_strided_slice %get3A_3 {offsets = [0, 2], sizes = [128, 1], strides = [1, 1]} : vector<128x128xf32> to vector<128x1xf32>
    %slice3A_34 = vector.extract_strided_slice %get3A_32 {offsets = [0, 0], sizes = [128, 64], strides = [1, 1]} : vector<128x128xf32> to vector<128x64xf32>
    %slice3A_35 = vector.extract_strided_slice %get3A_32 {offsets = [0, 64], sizes = [128, 64], strides = [1, 1]} : vector<128x128xf32> to vector<128x64xf32>
    %sub3A_36 = arith.subf %slice3A_35, %slice3A_34 : vector<128x64xf32>
    %mul3A_37 = vector.broadcast %slice3A_33 : vector<128x1xf32> to vector<128x64xf32>
    %mul3A_38 = arith.mulf %mul3A_37, %sub3A_36 : vector<128x64xf32>
    %add3A_39 = arith.addf %slice3A_34, %mul3A_38 : vector<128x64xf32>
    %abs3A = math.absf %add3A_39 : vector<128x64xf32>
    %reduce_sum3A = arith.constant dense<0.000000e+00> : vector<128xf32>
    %reduce_sum3A_40 = vector.multi_reduction <add>, %abs3A, %reduce_sum3A [1] : vector<128x64xf32> to vector<128xf32>
    %broadcast_in_dim3A = vector.shape_cast %reduce_sum3A_40 : vector<128xf32> to vector<128x1xf32>
    %max3A = arith.constant 9.99999996E-13 : f32
    %max3A_41 = vector.broadcast %max3A : f32 to vector<128x1xf32>
    %max3A_42 = arith.maximumf %broadcast_in_dim3A, %max3A_41 : vector<128x1xf32>
    %div3A = vector.broadcast %max3A_42 : vector<128x1xf32> to vector<128x64xf32>
    %div3A_43 = arith.divf %add3A_39, %div3A : vector<128x64xf32>
    %sub3A_44 = arith.subf %add3A, %add3A_19 : vector<128x64xf32>
    %mul3A_45 = arith.mulf %sub3A_44, %div3A_43 : vector<128x64xf32>
    %reduce_sum3A_46 = arith.constant dense<0.000000e+00> : vector<128xf32>
    %reduce_sum3A_47 = vector.multi_reduction <add>, %mul3A_45, %reduce_sum3A_46 [1] : vector<128x64xf32> to vector<128xf32>
    %broadcast_in_dim3A_48 = vector.shape_cast %reduce_sum3A_47 : vector<128xf32> to vector<128x1xf32>
    %mul3A_49 = vector.broadcast %broadcast_in_dim3A_48 : vector<128x1xf32> to vector<128x64xf32>
    %mul3A_50 = arith.mulf %mul3A_49, %div3A_43 : vector<128x64xf32>
    %sub3A_51 = arith.subf %sub3A_44, %mul3A_50 : vector<128x64xf32>
    %add3A_52 = arith.addf %sub3A_51, %add3A_29 : vector<128x64xf32>
    %abs3A_53 = math.absf %add3A_52 : vector<128x64xf32>
    %reduce_sum3A_54 = arith.constant dense<0.000000e+00> : vector<128xf32>
    %reduce_sum3A_55 = vector.multi_reduction <add>, %abs3A_53, %reduce_sum3A_54 [1] : vector<128x64xf32> to vector<128xf32>
    %broadcast_in_dim3A_56 = vector.shape_cast %reduce_sum3A_55 : vector<128xf32> to vector<128x1xf32>
    %get3A_57 = arith.constant 0 : index
    %get3A_58 = arith.constant 0 : index
    %get3A_59 = vector.load %arg3[%get3A_57, %get3A_58] : memref<4096x128xf32, #tpu.memory_space<vmem>>, vector<4096x128xf32>
    %reshape3A = vector.shape_cast %get3A_59 : vector<4096x128xf32> to vector<128x32x128xf32>
    %get3A_60 = arith.constant 0 : index
    %get3A_61 = arith.constant 0 : index
    %get3A_62 = vector.load %arg4[%get3A_60, %get3A_61] : memref<4096x128xf32, #tpu.memory_space<vmem>>, vector<4096x128xf32>
    %reshape3A_63 = vector.shape_cast %get3A_62 : vector<4096x128xf32> to vector<128x32x128xf32>
    %get3A_64 = arith.constant 0 : index
    %get3A_65 = arith.constant 0 : index
    %get3A_66 = vector.load %arg8[%get3A_64, %get3A_65] : memref<128x32xf32, #tpu.memory_space<vmem>>, vector<128x32xf32>
    %broadcast_in_dim3A_67 = vector.shape_cast %get3A_66 : vector<128x32xf32> to vector<128x32x1xf32>
    %get3A_68 = arith.constant 0 : index
    %get3A_69 = arith.constant 0 : index
    %get3A_70 = vector.load %arg9[%get3A_68, %get3A_69] : memref<128x32xf32, #tpu.memory_space<vmem>>, vector<128x32xf32>
    %broadcast_in_dim3A_71 = vector.shape_cast %get3A_70 : vector<128x32xf32> to vector<128x32x1xf32>
    %slice3A_72 = vector.extract_strided_slice %reshape3A {offsets = [0, 0, 0], sizes = [128, 32, 64], strides = [1, 1, 1]} : vector<128x32x128xf32> to vector<128x32x64xf32>
    %slice3A_73 = vector.extract_strided_slice %reshape3A {offsets = [0, 0, 64], sizes = [128, 32, 64], strides = [1, 1, 1]} : vector<128x32x128xf32> to vector<128x32x64xf32>
    %slice3A_74 = vector.extract_strided_slice %reshape3A {offsets = [0, 0, 0], sizes = [128, 32, 64], strides = [1, 1, 1]} : vector<128x32x128xf32> to vector<128x32x64xf32>
    %sub3A_75 = arith.subf %slice3A_73, %slice3A_74 : vector<128x32x64xf32>
    %mul3A_76 = vector.broadcast %broadcast_in_dim3A_67 : vector<128x32x1xf32> to vector<128x32x64xf32>
    %mul3A_77 = arith.mulf %mul3A_76, %sub3A_75 : vector<128x32x64xf32>
    %add3A_78 = arith.addf %slice3A_72, %mul3A_77 : vector<128x32x64xf32>
    %slice3A_79 = vector.extract_strided_slice %reshape3A_63 {offsets = [0, 0, 0], sizes = [128, 32, 64], strides = [1, 1, 1]} : vector<128x32x128xf32> to vector<128x32x64xf32>
    %slice3A_80 = vector.extract_strided_slice %reshape3A_63 {offsets = [0, 0, 64], sizes = [128, 32, 64], strides = [1, 1, 1]} : vector<128x32x128xf32> to vector<128x32x64xf32>
    %slice3A_81 = vector.extract_strided_slice %reshape3A_63 {offsets = [0, 0, 0], sizes = [128, 32, 64], strides = [1, 1, 1]} : vector<128x32x128xf32> to vector<128x32x64xf32>
    %sub3A_82 = arith.subf %slice3A_80, %slice3A_81 : vector<128x32x64xf32>
    %mul3A_83 = vector.broadcast %broadcast_in_dim3A_71 : vector<128x32x1xf32> to vector<128x32x64xf32>
    %mul3A_84 = arith.mulf %mul3A_83, %sub3A_82 : vector<128x32x64xf32>
    %add3A_85 = arith.addf %slice3A_79, %mul3A_84 : vector<128x32x64xf32>
    %sub3A_86 = arith.subf %add3A_78, %add3A_85 : vector<128x32x64xf32>
    %broadcast_in_dim3A_87 = vector.shape_cast %div3A_43 : vector<128x64xf32> to vector<128x1x64xf32>
    %mul3A_88 = vector.broadcast %broadcast_in_dim3A_87 : vector<128x1x64xf32> to vector<128x32x64xf32>
    %mul3A_89 = arith.mulf %sub3A_86, %mul3A_88 : vector<128x32x64xf32>
    %reduce_sum3A_90 = arith.constant dense<0.000000e+00> : vector<128x32xf32>
    %reduce_sum3A_91 = vector.multi_reduction <add>, %mul3A_89, %reduce_sum3A_90 [2] : vector<128x32x64xf32> to vector<128x32xf32>
    %broadcast_in_dim3A_92 = vector.shape_cast %reduce_sum3A_91 : vector<128x32xf32> to vector<128x32x1xf32>
    %mul3A_93 = vector.broadcast %broadcast_in_dim3A_92 : vector<128x32x1xf32> to vector<128x32x64xf32>
    %mul3A_94 = vector.broadcast %broadcast_in_dim3A_87 : vector<128x1x64xf32> to vector<128x32x64xf32>
    %mul3A_95 = arith.mulf %mul3A_93, %mul3A_94 : vector<128x32x64xf32>
    %sub3A_96 = arith.subf %sub3A_86, %mul3A_95 : vector<128x32x64xf32>
    %broadcast_in_dim3A_97 = vector.shape_cast %add3A_29 : vector<128x64xf32> to vector<128x1x64xf32>
    %add3A_98 = vector.broadcast %broadcast_in_dim3A_97 : vector<128x1x64xf32> to vector<128x32x64xf32>
    %add3A_99 = arith.addf %sub3A_96, %add3A_98 : vector<128x32x64xf32>
    %abs3A_100 = math.absf %add3A_99 : vector<128x32x64xf32>
    %reduce_sum3A_101 = arith.constant dense<0.000000e+00> : vector<128x32xf32>
    %reduce_sum3A_102 = vector.multi_reduction <add>, %abs3A_100, %reduce_sum3A_101 [2] : vector<128x32x64xf32> to vector<128x32xf32>
    %get3A_103 = arith.constant 0 : index
    %get3A_104 = arith.constant 0 : index
    %get3A_105 = memref.load %arg11[%get3A_103, %get3A_104] : memref<1x1xf32, #tpu.memory_space<smem>>
    %add3A_106 = arith.constant 1.000000e+00 : f32
    %add3A_107 = vector.broadcast %add3A_106 : f32 to vector<128x1xf32>
    %add3A_108 = arith.addf %broadcast_in_dim3A_56, %add3A_107 : vector<128x1xf32>
    %sub3A_109 = vector.broadcast %add3A_108 : vector<128x1xf32> to vector<128x32xf32>
    %sub3A_110 = arith.subf %sub3A_109, %reduce_sum3A_102 : vector<128x32xf32>
    %max3A_111 = arith.constant 0.000000e+00 : f32
    %max3A_112 = vector.broadcast %max3A_111 : f32 to vector<128x32xf32>
    %max3A_113 = arith.maximumf %sub3A_110, %max3A_112 : vector<128x32xf32>
    %reduce_sum3A_114 = vector.shape_cast %max3A_113 : vector<128x32xf32> to vector<1x128x32xf32>
    %reduce_sum3A_115 = arith.constant dense<0.000000e+00> : vector<1xf32>
    %reduce_sum3A_116 = vector.multi_reduction <add>, %reduce_sum3A_114, %reduce_sum3A_115 [1, 2] : vector<1x128x32xf32> to vector<1xf32>
    %reduce_sum3A_117 = vector.shape_cast %reduce_sum3A_116 : vector<1xf32> to vector<1x1x1xf32>
    %reduce_sum3A_118 = vector.extract %reduce_sum3A_117[0, 0, 0] : f32 from vector<1x1x1xf32>
    %add3A_119 = arith.addf %get3A_105, %reduce_sum3A_118 : f32
    %swap3A = arith.constant 0 : index
    %swap3A_120 = arith.constant 0 : index
    %swap3A_121 = memref.load %arg11[%swap3A, %swap3A_120] : memref<1x1xf32, #tpu.memory_space<smem>>
    memref.store %add3A_119, %arg11[%swap3A, %swap3A_120] : memref<1x1xf32, #tpu.memory_space<smem>>
    %get3A_122 = arith.constant 0 : index
    %get3A_123 = arith.constant 0 : index
    %get3A_124 = memref.load %arg12[%get3A_122, %get3A_123] : memref<1x1xf32, #tpu.memory_space<smem>>
    %mul3A_125 = arith.mulf %add3A, %add3A : vector<128x64xf32>
    %reduce_sum3A_126 = arith.constant dense<0.000000e+00> : vector<128xf32>
    %reduce_sum3A_127 = vector.multi_reduction <add>, %mul3A_125, %reduce_sum3A_126 [1] : vector<128x64xf32> to vector<128xf32>
    %sub3A_128 = arith.constant 1.000000e+00 : f32
    %sub3A_129 = vector.broadcast %sub3A_128 : f32 to vector<128xf32>
    %sub3A_130 = arith.subf %reduce_sum3A_127, %sub3A_129 : vector<128xf32>
    %max3A_131 = arith.constant 0.000000e+00 : f32
    %max3A_132 = vector.broadcast %max3A_131 : f32 to vector<128xf32>
    %max3A_133 = arith.maximumf %sub3A_130, %max3A_132 : vector<128xf32>
    %reduce_sum3A_134 = vector.shape_cast %max3A_133 : vector<128xf32> to vector<1x128xf32>
    %reduce_sum3A_135 = arith.constant dense<0.000000e+00> : vector<1xf32>
    %reduce_sum3A_136 = vector.multi_reduction <add>, %reduce_sum3A_134, %reduce_sum3A_135 [1] : vector<1x128xf32> to vector<1xf32>
    %reduce_sum3A_137 = vector.shape_cast %reduce_sum3A_136 : vector<1xf32> to vector<1x1xf32>
    %reduce_sum3A_138 = vector.extract %reduce_sum3A_137[0, 0] : f32 from vector<1x1xf32>
    %mul3A_139 = arith.mulf %add3A_19, %add3A_19 : vector<128x64xf32>
    %reduce_sum3A_140 = arith.constant dense<0.000000e+00> : vector<128xf32>
    %reduce_sum3A_141 = vector.multi_reduction <add>, %mul3A_139, %reduce_sum3A_140 [1] : vector<128x64xf32> to vector<128xf32>
    %sub3A_142 = arith.constant 1.000000e+00 : f32
    %sub3A_143 = vector.broadcast %sub3A_142 : f32 to vector<128xf32>
    %sub3A_144 = arith.subf %reduce_sum3A_141, %sub3A_143 : vector<128xf32>
    %max3A_145 = arith.constant 0.000000e+00 : f32
    %max3A_146 = vector.broadcast %max3A_145 : f32 to vector<128xf32>
    %max3A_147 = arith.maximumf %sub3A_144, %max3A_146 : vector<128xf32>
    %reduce_sum3A_148 = vector.shape_cast %max3A_147 : vector<128xf32> to vector<1x128xf32>
    %reduce_sum3A_149 = arith.constant dense<0.000000e+00> : vector<1xf32>
    %reduce_sum3A_150 = vector.multi_reduction <add>, %reduce_sum3A_148, %reduce_sum3A_149 [1] : vector<1x128xf32> to vector<1xf32>
    %reduce_sum3A_151 = vector.shape_cast %reduce_sum3A_150 : vector<1xf32> to vector<1x1xf32>
    %reduce_sum3A_152 = vector.extract %reduce_sum3A_151[0, 0] : f32 from vector<1x1xf32>
    %add3A_153 = arith.addf %reduce_sum3A_138, %reduce_sum3A_152 : f32
    %mul3A_154 = arith.mulf %add3A_78, %add3A_78 : vector<128x32x64xf32>
    %reduce_sum3A_155 = arith.constant dense<0.000000e+00> : vector<128x32xf32>
    %reduce_sum3A_156 = vector.multi_reduction <add>, %mul3A_154, %reduce_sum3A_155 [2] : vector<128x32x64xf32> to vector<128x32xf32>
    %sub3A_157 = arith.constant 1.000000e+00 : f32
    %sub3A_158 = vector.broadcast %sub3A_157 : f32 to vector<128x32xf32>
    %sub3A_159 = arith.subf %reduce_sum3A_156, %sub3A_158 : vector<128x32xf32>
    %max3A_160 = arith.constant 0.000000e+00 : f32
    %max3A_161 = vector.broadcast %max3A_160 : f32 to vector<128x32xf32>
    %max3A_162 = arith.maximumf %sub3A_159, %max3A_161 : vector<128x32xf32>
    %reduce_sum3A_163 = vector.shape_cast %max3A_162 : vector<128x32xf32> to vector<1x128x32xf32>
    %reduce_sum3A_164 = arith.constant dense<0.000000e+00> : vector<1xf32>
    %reduce_sum3A_165 = vector.multi_reduction <add>, %reduce_sum3A_163, %reduce_sum3A_164 [1, 2] : vector<1x128x32xf32> to vector<1xf32>
    %reduce_sum3A_166 = vector.shape_cast %reduce_sum3A_165 : vector<1xf32> to vector<1x1x1xf32>
    %reduce_sum3A_167 = vector.extract %reduce_sum3A_166[0, 0, 0] : f32 from vector<1x1x1xf32>
    %add3A_168 = arith.addf %add3A_153, %reduce_sum3A_167 : f32
    %mul3A_169 = arith.mulf %add3A_85, %add3A_85 : vector<128x32x64xf32>
    %reduce_sum3A_170 = arith.constant dense<0.000000e+00> : vector<128x32xf32>
    %reduce_sum3A_171 = vector.multi_reduction <add>, %mul3A_169, %reduce_sum3A_170 [2] : vector<128x32x64xf32> to vector<128x32xf32>
    %sub3A_172 = arith.constant 1.000000e+00 : f32
    %sub3A_173 = vector.broadcast %sub3A_172 : f32 to vector<128x32xf32>
    %sub3A_174 = arith.subf %reduce_sum3A_171, %sub3A_173 : vector<128x32xf32>
    %max3A_175 = arith.constant 0.000000e+00 : f32
    %max3A_176 = vector.broadcast %max3A_175 : f32 to vector<128x32xf32>
    %max3A_177 = arith.maximumf %sub3A_174, %max3A_176 : vector<128x32xf32>
    %reduce_sum3A_178 = vector.shape_cast %max3A_177 : vector<128x32xf32> to vector<1x128x32xf32>
    %reduce_sum3A_179 = arith.constant dense<0.000000e+00> : vector<1xf32>
    %reduce_sum3A_180 = vector.multi_reduction <add>, %reduce_sum3A_178, %reduce_sum3A_179 [1, 2] : vector<1x128x32xf32> to vector<1xf32>
    %reduce_sum3A_181 = vector.shape_cast %reduce_sum3A_180 : vector<1xf32> to vector<1x1x1xf32>
    %reduce_sum3A_182 = vector.extract %reduce_sum3A_181[0, 0, 0] : f32 from vector<1x1x1xf32>
    %add3A_183 = arith.addf %add3A_168, %reduce_sum3A_182 : f32
    %add3A_184 = arith.addf %get3A_124, %add3A_183 : f32
    %swap3A_185 = arith.constant 0 : index
    %swap3A_186 = arith.constant 0 : index
    %swap3A_187 = memref.load %arg12[%swap3A_185, %swap3A_186] : memref<1x1xf32, #tpu.memory_space<smem>>
    memref.store %add3A_184, %arg12[%swap3A_185, %swap3A_186] : memref<1x1xf32, #tpu.memory_space<smem>>
    %get3A_188 = arith.constant 0 : index
    %get3A_189 = arith.constant 0 : index
    %get3A_190 = memref.load %arg13[%get3A_188, %get3A_189] : memref<1x1xf32, #tpu.memory_space<smem>>
    %mul3A_191 = arith.mulf %div3A_43, %add3A_29 : vector<128x64xf32>
    %reduce_sum3A_192 = arith.constant dense<0.000000e+00> : vector<128xf32>
    %reduce_sum3A_193 = vector.multi_reduction <add>, %mul3A_191, %reduce_sum3A_192 [1] : vector<128x64xf32> to vector<128xf32>
    %integer_pow3A = arith.mulf %reduce_sum3A_193, %reduce_sum3A_193 : vector<128xf32>
    %reduce_sum3A_194 = vector.shape_cast %integer_pow3A : vector<128xf32> to vector<1x128xf32>
    %reduce_sum3A_195 = arith.constant dense<0.000000e+00> : vector<1xf32>
    %reduce_sum3A_196 = vector.multi_reduction <add>, %reduce_sum3A_194, %reduce_sum3A_195 [1] : vector<1x128xf32> to vector<1xf32>
    %reduce_sum3A_197 = vector.shape_cast %reduce_sum3A_196 : vector<1xf32> to vector<1x1xf32>
    %reduce_sum3A_198 = vector.extract %reduce_sum3A_197[0, 0] : f32 from vector<1x1xf32>
    %add3A_199 = arith.addf %get3A_190, %reduce_sum3A_198 : f32
    %swap3A_200 = arith.constant 0 : index
    %swap3A_201 = arith.constant 0 : index
    %swap3A_202 = memref.load %arg13[%swap3A_200, %swap3A_201] : memref<1x1xf32, #tpu.memory_space<smem>>
    memref.store %add3A_199, %arg13[%swap3A_200, %swap3A_201] : memref<1x1xf32, #tpu.memory_space<smem>>
    %get3A_203 = arith.constant 0 : index
    %get3A_204 = arith.constant 0 : index
    %get3A_205 = memref.load %arg14[%get3A_203, %get3A_204] : memref<1x1xf32, #tpu.memory_space<smem>>
    %mul3A_206 = arith.mulf %add3A_29, %add3A_29 : vector<128x64xf32>
    %reduce_sum3A_207 = arith.constant dense<0.000000e+00> : vector<128xf32>
    %reduce_sum3A_208 = vector.multi_reduction <add>, %mul3A_206, %reduce_sum3A_207 [1] : vector<128x64xf32> to vector<128xf32>
    %sub3A_209 = arith.constant 1.000000e+00 : f32
    %sub3A_210 = vector.broadcast %sub3A_209 : f32 to vector<128xf32>
    %sub3A_211 = arith.subf %reduce_sum3A_208, %sub3A_210 : vector<128xf32>
    %max3A_212 = arith.constant 0.000000e+00 : f32
    %max3A_213 = vector.broadcast %max3A_212 : f32 to vector<128xf32>
    %max3A_214 = arith.maximumf %sub3A_211, %max3A_213 : vector<128xf32>
    %reduce_sum3A_215 = vector.shape_cast %max3A_214 : vector<128xf32> to vector<1x128xf32>
    %reduce_sum3A_216 = arith.constant dense<0.000000e+00> : vector<1xf32>
    %reduce_sum3A_217 = vector.multi_reduction <add>, %reduce_sum3A_215, %reduce_sum3A_216 [1] : vector<1x128xf32> to vector<1xf32>
    %reduce_sum3A_218 = vector.shape_cast %reduce_sum3A_217 : vector<1xf32> to vector<1x1xf32>
    %reduce_sum3A_219 = vector.extract %reduce_sum3A_218[0, 0] : f32 from vector<1x1xf32>
    %add3A_220 = arith.addf %get3A_205, %reduce_sum3A_219 : f32
    %swap3A_221 = arith.constant 0 : index
    %swap3A_222 = arith.constant 0 : index
    %swap3A_223 = memref.load %arg14[%swap3A_221, %swap3A_222] : memref<1x1xf32, #tpu.memory_space<smem>>
    memref.store %add3A_220, %arg14[%swap3A_221, %swap3A_222] : memref<1x1xf32, #tpu.memory_space<smem>>
    %eq3A_224 = arith.constant 15 : i32
    %eq3A_225 = arith.cmpi eq, %arg0, %eq3A_224 : i32
    %convert_element_type3A_226 = arith.extui %eq3A_225 : i1 to i32
    %cond3A_227 = arith.constant 0 : i32
    %cond3A_228 = arith.cmpi ne, %convert_element_type3A_226, %cond3A_227 : i32
    scf.if %cond3A_228 {
      %get3A_229 = arith.constant 0 : index
      %get3A_230 = arith.constant 0 : index
      %get3A_231 = memref.load %arg11[%get3A_229, %get3A_230] : memref<1x1xf32, #tpu.memory_space<smem>>
      %swap3A_232 = arith.constant 0 : index
      %swap3A_233 = arith.constant 0 : index
      %swap3A_234 = memref.load %arg10[%swap3A_232, %swap3A_233] : memref<1x4xf32, #tpu.memory_space<smem>>
      memref.store %get3A_231, %arg10[%swap3A_232, %swap3A_233] : memref<1x4xf32, #tpu.memory_space<smem>>
      %get3A_235 = arith.constant 0 : index
      %get3A_236 = arith.constant 0 : index
      %get3A_237 = memref.load %arg12[%get3A_235, %get3A_236] : memref<1x1xf32, #tpu.memory_space<smem>>
      %swap3A_238 = arith.constant 0 : index
      %swap3A_239 = arith.constant 1 : index
      %swap3A_240 = memref.load %arg10[%swap3A_238, %swap3A_239] : memref<1x4xf32, #tpu.memory_space<smem>>
      memref.store %get3A_237, %arg10[%swap3A_238, %swap3A_239] : memref<1x4xf32, #tpu.memory_space<smem>>
      %get3A_241 = arith.constant 0 : index
      %get3A_242 = arith.constant 0 : index
      %get3A_243 = memref.load %arg13[%get3A_241, %get3A_242] : memref<1x1xf32, #tpu.memory_space<smem>>
      %swap3A_244 = arith.constant 0 : index
      %swap3A_245 = arith.constant 2 : index
      %swap3A_246 = memref.load %arg10[%swap3A_244, %swap3A_245] : memref<1x4xf32, #tpu.memory_space<smem>>
      memref.store %get3A_243, %arg10[%swap3A_244, %swap3A_245] : memref<1x4xf32, #tpu.memory_space<smem>>
      %get3A_247 = arith.constant 0 : index
      %get3A_248 = arith.constant 0 : index
      %get3A_249 = memref.load %arg14[%get3A_247, %get3A_248] : memref<1x1xf32, #tpu.memory_space<smem>>
      %swap3A_250 = arith.constant 0 : index
      %swap3A_251 = arith.constant 3 : index
      %swap3A_252 = memref.load %arg10[%swap3A_250, %swap3A_251] : memref<1x4xf32, #tpu.memory_space<smem>>
      memref.store %get3A_249, %arg10[%swap3A_250, %swap3A_251] : memref<1x4xf32, #tpu.memory_space<smem>>
    } else {
    }
    return
  }
  func.func @transform_0(%arg0: i32) -> (i32, i32) {
    %c0_i32 = arith.constant 0 : i32
    %c0_i32_0 = arith.constant 0 : i32
    return %arg0, %c0_i32 : i32, i32
  }
  func.func @transform_1(%arg0: i32) -> (i32, i32) {
    %add3A = arith.constant 16 : i32
    %add3A_0 = arith.addi %arg0, %add3A : i32
    %c0_i32 = arith.constant 0 : i32
    %c0_i32_1 = arith.constant 0 : i32
    return %add3A_0, %c0_i32 : i32, i32
  }
  func.func @transform_2(%arg0: i32) -> (i32, i32) {
    %add3A = arith.constant 1 : i32
    %add3A_0 = arith.addi %arg0, %add3A : i32
    %c0_i32 = arith.constant 0 : i32
    %c0_i32_1 = arith.constant 0 : i32
    return %add3A_0, %c0_i32 : i32, i32
  }
  func.func @transform_3(%arg0: i32) -> (i32, i32) {
    %add3A = arith.constant 17 : i32
    %add3A_0 = arith.addi %arg0, %add3A : i32
    %c0_i32 = arith.constant 0 : i32
    %c0_i32_1 = arith.constant 0 : i32
    return %add3A_0, %c0_i32 : i32, i32
  }
  func.func @transform_4(%arg0: i32) -> (i32, i32) {
    %add3A = arith.constant 0 : i32
    %add3A_0 = arith.addi %arg0, %add3A : i32
    %c0_i32 = arith.constant 0 : i32
    %c0_i32_1 = arith.constant 0 : i32
    return %add3A_0, %c0_i32 : i32, i32
  }
  func.func @transform_5(%arg0: i32) -> (i32, i32) {
    %add3A = arith.constant 0 : i32
    %add3A_0 = arith.addi %arg0, %add3A : i32
    %c0_i32 = arith.constant 0 : i32
    %c0_i32_1 = arith.constant 0 : i32
    return %add3A_0, %c0_i32 : i32, i32
  }
  func.func @transform_6(%arg0: i32) -> (i32, i32) {
    %c0_i32 = arith.constant 0 : i32
    %c0_i32_0 = arith.constant 0 : i32
    return %arg0, %c0_i32 : i32, i32
  }
  func.func @transform_7(%arg0: i32) -> (i32, i32) {
    %c0_i32 = arith.constant 0 : i32
    %c0_i32_0 = arith.constant 0 : i32
    return %arg0, %c0_i32 : i32, i32
  }
  func.func @transform_8(%arg0: i32) -> (i32, i32) {
    %c0_i32 = arith.constant 0 : i32
    %c0_i32_0 = arith.constant 0 : i32
    return %arg0, %c0_i32 : i32, i32
  }
  func.func @transform_9(%arg0: i32) -> (i32, i32) {
    %c0_i32 = arith.constant 0 : i32
    %c0_i32_0 = arith.constant 0 : i32
    %c0_i32_1 = arith.constant 0 : i32
    return %c0_i32, %c0_i32_0 : i32, i32
  }
}

module attributes {stable_mosaic.version = 14 : i64} {
  func.func @body(%arg0: i32, %arg1: memref<128x128xf32, #tpu.memory_space<vmem>>, %arg2: memref<128x128xf32, #tpu.memory_space<vmem>>, %arg3: memref<4096x128xf32, #tpu.memory_space<vmem>>, %arg4: memref<4096x128xf32, #tpu.memory_space<vmem>>, %arg5: memref<128x128xf32, #tpu.memory_space<vmem>>, %arg6: memref<128x128xf32, #tpu.memory_space<vmem>>, %arg7: memref<128x128xf32, #tpu.memory_space<vmem>>, %arg8: memref<128x32xf32, #tpu.memory_space<vmem>>, %arg9: memref<128x32xf32, #tpu.memory_space<vmem>>, %arg10: memref<1x4xf32, #tpu.memory_space<smem>>, %arg11: memref<1x1xf32, #tpu.memory_space<smem>>, %arg12: memref<1x1xf32, #tpu.memory_space<smem>>, %arg13: memref<1x1xf32, #tpu.memory_space<smem>>, %arg14: memref<1x1xf32, #tpu.memory_space<smem>>) attributes {dimension_semantics = [#tpu.dimension_semantics<arbitrary>], iteration_bounds = array<i64: 16>, scalar_prefetch = 0 : i64, scratch_operands = 4 : i64, tpu.core_type = #tpu.core_type<tc>, window_params = [{transform_indices = @transform_0, window_bounds = array<i64: 128, 128>}, {transform_indices = @transform_1, window_bounds = array<i64: 128, 128>}, {transform_indices = @transform_2, window_bounds = array<i64: 4096, 128>}, {transform_indices = @transform_3, window_bounds = array<i64: 4096, 128>}, {transform_indices = @transform_4, window_bounds = array<i64: 128, 128>}, {transform_indices = @transform_5, window_bounds = array<i64: 128, 128>}, {transform_indices = @transform_6, window_bounds = array<i64: 128, 128>}, {transform_indices = @transform_7, window_bounds = array<i64: 128, 32>}, {transform_indices = @transform_8, window_bounds = array<i64: 128, 32>}, {transform_indices = @transform_9, window_bounds = array<i64: 1, 4>}]} {
    %eq3A = arith.constant 0 : i32
    %eq3A_0 = arith.cmpi eq, %arg0, %eq3A : i32
    %convert_element_type3A = arith.extui %eq3A_0 : i1 to i32
    %cond3A = arith.constant 0 : i32
    %cond3A_1 = arith.cmpi ne, %convert_element_type3A, %cond3A : i32
    scf.if %cond3A_1 {
      %swap3A_229 = arith.constant 0.000000e+00 : f32
      %swap3A_230 = arith.constant 0 : index
      %swap3A_231 = arith.constant 0 : index
      %swap3A_232 = memref.load %arg11[%swap3A_230, %swap3A_231] : memref<1x1xf32, #tpu.memory_space<smem>>
      memref.store %swap3A_229, %arg11[%swap3A_230, %swap3A_231] : memref<1x1xf32, #tpu.memory_space<smem>>
      %swap3A_233 = arith.constant 0.000000e+00 : f32
      %swap3A_234 = arith.constant 0 : index
      %swap3A_235 = arith.constant 0 : index
      %swap3A_236 = memref.load %arg12[%swap3A_234, %swap3A_235] : memref<1x1xf32, #tpu.memory_space<smem>>
      memref.store %swap3A_233, %arg12[%swap3A_234, %swap3A_235] : memref<1x1xf32, #tpu.memory_space<smem>>
      %swap3A_237 = arith.constant 0.000000e+00 : f32
      %swap3A_238 = arith.constant 0 : index
      %swap3A_239 = arith.constant 0 : index
      %swap3A_240 = memref.load %arg13[%swap3A_238, %swap3A_239] : memref<1x1xf32, #tpu.memory_space<smem>>
      memref.store %swap3A_237, %arg13[%swap3A_238, %swap3A_239] : memref<1x1xf32, #tpu.memory_space<smem>>
      %swap3A_241 = arith.constant 0.000000e+00 : f32
      %swap3A_242 = arith.constant 0 : index
      %swap3A_243 = arith.constant 0 : index
      %swap3A_244 = memref.load %arg14[%swap3A_242, %swap3A_243] : memref<1x1xf32, #tpu.memory_space<smem>>
      memref.store %swap3A_241, %arg14[%swap3A_242, %swap3A_243] : memref<1x1xf32, #tpu.memory_space<smem>>
    } else {
    }
    %get3A = arith.constant 0 : index
    %get3A_2 = arith.constant 0 : index
    %get3A_3 = vector.load %arg7[%get3A, %get3A_2] : memref<128x128xf32, #tpu.memory_space<vmem>>, vector<128x128xf32>
    %get3A_4 = arith.constant 0 : index
    %get3A_5 = arith.constant 0 : index
    %get3A_6 = vector.load %arg1[%get3A_4, %get3A_5] : memref<128x128xf32, #tpu.memory_space<vmem>>, vector<128x128xf32>
    %slice3A = vector.extract_strided_slice %get3A_3 {offsets = [0, 0], sizes = [128, 1], strides = [1, 1]} : vector<128x128xf32> to vector<128x1xf32>
    %slice3A_7 = vector.extract_strided_slice %get3A_6 {offsets = [0, 0], sizes = [128, 64], strides = [1, 1]} : vector<128x128xf32> to vector<128x64xf32>
    %slice3A_8 = vector.extract_strided_slice %get3A_6 {offsets = [0, 64], sizes = [128, 64], strides = [1, 1]} : vector<128x128xf32> to vector<128x64xf32>
    %sub3A = arith.subf %slice3A_8, %slice3A_7 : vector<128x64xf32>
    %mul3A = vector.broadcast %slice3A : vector<128x1xf32> to vector<128x64xf32>
    %mul3A_9 = arith.mulf %mul3A, %sub3A : vector<128x64xf32>
    %add3A = arith.addf %slice3A_7, %mul3A_9 : vector<128x64xf32>
    %get3A_10 = arith.constant 0 : index
    %get3A_11 = arith.constant 0 : index
    %get3A_12 = vector.load %arg2[%get3A_10, %get3A_11] : memref<128x128xf32, #tpu.memory_space<vmem>>, vector<128x128xf32>
    %slice3A_13 = vector.extract_strided_slice %get3A_3 {offsets = [0, 1], sizes = [128, 1], strides = [1, 1]} : vector<128x128xf32> to vector<128x1xf32>
    %slice3A_14 = vector.extract_strided_slice %get3A_12 {offsets = [0, 0], sizes = [128, 64], strides = [1, 1]} : vector<128x128xf32> to vector<128x64xf32>
    %slice3A_15 = vector.extract_strided_slice %get3A_12 {offsets = [0, 64], sizes = [128, 64], strides = [1, 1]} : vector<128x128xf32> to vector<128x64xf32>
    %sub3A_16 = arith.subf %slice3A_15, %slice3A_14 : vector<128x64xf32>
    %mul3A_17 = vector.broadcast %slice3A_13 : vector<128x1xf32> to vector<128x64xf32>
    %mul3A_18 = arith.mulf %mul3A_17, %sub3A_16 : vector<128x64xf32>
    %add3A_19 = arith.addf %slice3A_14, %mul3A_18 : vector<128x64xf32>
    %get3A_20 = arith.constant 0 : index
    %get3A_21 = arith.constant 0 : index
    %get3A_22 = vector.load %arg5[%get3A_20, %get3A_21] : memref<128x128xf32, #tpu.memory_space<vmem>>, vector<128x128xf32>
    %slice3A_23 = vector.extract_strided_slice %get3A_3 {offsets = [0, 2], sizes = [128, 1], strides = [1, 1]} : vector<128x128xf32> to vector<128x1xf32>
    %slice3A_24 = vector.extract_strided_slice %get3A_22 {offsets = [0, 0], sizes = [128, 64], strides = [1, 1]} : vector<128x128xf32> to vector<128x64xf32>
    %slice3A_25 = vector.extract_strided_slice %get3A_22 {offsets = [0, 64], sizes = [128, 64], strides = [1, 1]} : vector<128x128xf32> to vector<128x64xf32>
    %sub3A_26 = arith.subf %slice3A_25, %slice3A_24 : vector<128x64xf32>
    %mul3A_27 = vector.broadcast %slice3A_23 : vector<128x1xf32> to vector<128x64xf32>
    %mul3A_28 = arith.mulf %mul3A_27, %sub3A_26 : vector<128x64xf32>
    %add3A_29 = arith.addf %slice3A_24, %mul3A_28 : vector<128x64xf32>
    %get3A_30 = arith.constant 0 : index
    %get3A_31 = arith.constant 0 : index
    %get3A_32 = vector.load %arg6[%get3A_30, %get3A_31] : memref<128x128xf32, #tpu.memory_space<vmem>>, vector<128x128xf32>
    %slice3A_33 = vector.extract_strided_slice %get3A_3 {offsets = [0, 2], sizes = [128, 1], strides = [1, 1]} : vector<128x128xf32> to vector<128x1xf32>
    %slice3A_34 = vector.extract_strided_slice %get3A_32 {offsets = [0, 0], sizes = [128, 64], strides = [1, 1]} : vector<128x128xf32> to vector<128x64xf32>
    %slice3A_35 = vector.extract_strided_slice %get3A_32 {offsets = [0, 64], sizes = [128, 64], strides = [1, 1]} : vector<128x128xf32> to vector<128x64xf32>
    %sub3A_36 = arith.subf %slice3A_35, %slice3A_34 : vector<128x64xf32>
    %mul3A_37 = vector.broadcast %slice3A_33 : vector<128x1xf32> to vector<128x64xf32>
    %mul3A_38 = arith.mulf %mul3A_37, %sub3A_36 : vector<128x64xf32>
    %add3A_39 = arith.addf %slice3A_34, %mul3A_38 : vector<128x64xf32>
    %abs3A = math.absf %add3A_39 : vector<128x64xf32>
    %reduce_sum3A = arith.constant dense<0.000000e+00> : vector<128xf32>
    %reduce_sum3A_40 = vector.multi_reduction <add>, %abs3A, %reduce_sum3A [1] : vector<128x64xf32> to vector<128xf32>
    %broadcast_in_dim3A = vector.shape_cast %reduce_sum3A_40 : vector<128xf32> to vector<128x1xf32>
    %max3A = arith.constant 9.99999996E-13 : f32
    %max3A_41 = vector.broadcast %max3A : f32 to vector<128x1xf32>
    %max3A_42 = arith.maximumf %broadcast_in_dim3A, %max3A_41 : vector<128x1xf32>
    %div3A = vector.broadcast %max3A_42 : vector<128x1xf32> to vector<128x64xf32>
    %div3A_43 = arith.divf %add3A_39, %div3A : vector<128x64xf32>
    %sub3A_44 = arith.subf %add3A, %add3A_19 : vector<128x64xf32>
    %mul3A_45 = arith.mulf %sub3A_44, %div3A_43 : vector<128x64xf32>
    %reduce_sum3A_46 = arith.constant dense<0.000000e+00> : vector<128xf32>
    %reduce_sum3A_47 = vector.multi_reduction <add>, %mul3A_45, %reduce_sum3A_46 [1] : vector<128x64xf32> to vector<128xf32>
    %broadcast_in_dim3A_48 = vector.shape_cast %reduce_sum3A_47 : vector<128xf32> to vector<128x1xf32>
    %mul3A_49 = vector.broadcast %broadcast_in_dim3A_48 : vector<128x1xf32> to vector<128x64xf32>
    %mul3A_50 = arith.mulf %mul3A_49, %div3A_43 : vector<128x64xf32>
    %sub3A_51 = arith.subf %sub3A_44, %mul3A_50 : vector<128x64xf32>
    %add3A_52 = arith.addf %sub3A_51, %add3A_29 : vector<128x64xf32>
    %abs3A_53 = math.absf %add3A_52 : vector<128x64xf32>
    %reduce_sum3A_54 = arith.constant dense<0.000000e+00> : vector<128xf32>
    %reduce_sum3A_55 = vector.multi_reduction <add>, %abs3A_53, %reduce_sum3A_54 [1] : vector<128x64xf32> to vector<128xf32>
    %broadcast_in_dim3A_56 = vector.shape_cast %reduce_sum3A_55 : vector<128xf32> to vector<128x1xf32>
    %get3A_57 = arith.constant 0 : index
    %get3A_58 = arith.constant 0 : index
    %get3A_59 = vector.load %arg3[%get3A_57, %get3A_58] : memref<4096x128xf32, #tpu.memory_space<vmem>>, vector<4096x128xf32>
    %reshape3A = vector.shape_cast %get3A_59 : vector<4096x128xf32> to vector<128x32x128xf32>
    %get3A_60 = arith.constant 0 : index
    %get3A_61 = arith.constant 0 : index
    %get3A_62 = vector.load %arg4[%get3A_60, %get3A_61] : memref<4096x128xf32, #tpu.memory_space<vmem>>, vector<4096x128xf32>
    %reshape3A_63 = vector.shape_cast %get3A_62 : vector<4096x128xf32> to vector<128x32x128xf32>
    %get3A_64 = arith.constant 0 : index
    %get3A_65 = arith.constant 0 : index
    %get3A_66 = vector.load %arg8[%get3A_64, %get3A_65] : memref<128x32xf32, #tpu.memory_space<vmem>>, vector<128x32xf32>
    %broadcast_in_dim3A_67 = vector.shape_cast %get3A_66 : vector<128x32xf32> to vector<128x32x1xf32>
    %get3A_68 = arith.constant 0 : index
    %get3A_69 = arith.constant 0 : index
    %get3A_70 = vector.load %arg9[%get3A_68, %get3A_69] : memref<128x32xf32, #tpu.memory_space<vmem>>, vector<128x32xf32>
    %broadcast_in_dim3A_71 = vector.shape_cast %get3A_70 : vector<128x32xf32> to vector<128x32x1xf32>
    %slice3A_72 = vector.extract_strided_slice %reshape3A {offsets = [0, 0, 0], sizes = [128, 32, 64], strides = [1, 1, 1]} : vector<128x32x128xf32> to vector<128x32x64xf32>
    %slice3A_73 = vector.extract_strided_slice %reshape3A {offsets = [0, 0, 64], sizes = [128, 32, 64], strides = [1, 1, 1]} : vector<128x32x128xf32> to vector<128x32x64xf32>
    %slice3A_74 = vector.extract_strided_slice %reshape3A {offsets = [0, 0, 0], sizes = [128, 32, 64], strides = [1, 1, 1]} : vector<128x32x128xf32> to vector<128x32x64xf32>
    %sub3A_75 = arith.subf %slice3A_73, %slice3A_74 : vector<128x32x64xf32>
    %mul3A_76 = vector.broadcast %broadcast_in_dim3A_67 : vector<128x32x1xf32> to vector<128x32x64xf32>
    %mul3A_77 = arith.mulf %mul3A_76, %sub3A_75 : vector<128x32x64xf32>
    %add3A_78 = arith.addf %slice3A_72, %mul3A_77 : vector<128x32x64xf32>
    %slice3A_79 = vector.extract_strided_slice %reshape3A_63 {offsets = [0, 0, 0], sizes = [128, 32, 64], strides = [1, 1, 1]} : vector<128x32x128xf32> to vector<128x32x64xf32>
    %slice3A_80 = vector.extract_strided_slice %reshape3A_63 {offsets = [0, 0, 64], sizes = [128, 32, 64], strides = [1, 1, 1]} : vector<128x32x128xf32> to vector<128x32x64xf32>
    %slice3A_81 = vector.extract_strided_slice %reshape3A_63 {offsets = [0, 0, 0], sizes = [128, 32, 64], strides = [1, 1, 1]} : vector<128x32x128xf32> to vector<128x32x64xf32>
    %sub3A_82 = arith.subf %slice3A_80, %slice3A_81 : vector<128x32x64xf32>
    %mul3A_83 = vector.broadcast %broadcast_in_dim3A_71 : vector<128x32x1xf32> to vector<128x32x64xf32>
    %mul3A_84 = arith.mulf %mul3A_83, %sub3A_82 : vector<128x32x64xf32>
    %add3A_85 = arith.addf %slice3A_79, %mul3A_84 : vector<128x32x64xf32>
    %sub3A_86 = arith.subf %add3A_78, %add3A_85 : vector<128x32x64xf32>
    %broadcast_in_dim3A_87 = vector.shape_cast %div3A_43 : vector<128x64xf32> to vector<128x1x64xf32>
    %mul3A_88 = vector.broadcast %broadcast_in_dim3A_87 : vector<128x1x64xf32> to vector<128x32x64xf32>
    %mul3A_89 = arith.mulf %sub3A_86, %mul3A_88 : vector<128x32x64xf32>
    %reduce_sum3A_90 = arith.constant dense<0.000000e+00> : vector<128x32xf32>
    %reduce_sum3A_91 = vector.multi_reduction <add>, %mul3A_89, %reduce_sum3A_90 [2] : vector<128x32x64xf32> to vector<128x32xf32>
    %broadcast_in_dim3A_92 = vector.shape_cast %reduce_sum3A_91 : vector<128x32xf32> to vector<128x32x1xf32>
    %mul3A_93 = vector.broadcast %broadcast_in_dim3A_92 : vector<128x32x1xf32> to vector<128x32x64xf32>
    %mul3A_94 = vector.broadcast %broadcast_in_dim3A_87 : vector<128x1x64xf32> to vector<128x32x64xf32>
    %mul3A_95 = arith.mulf %mul3A_93, %mul3A_94 : vector<128x32x64xf32>
    %sub3A_96 = arith.subf %sub3A_86, %mul3A_95 : vector<128x32x64xf32>
    %broadcast_in_dim3A_97 = vector.shape_cast %add3A_29 : vector<128x64xf32> to vector<128x1x64xf32>
    %add3A_98 = vector.broadcast %broadcast_in_dim3A_97 : vector<128x1x64xf32> to vector<128x32x64xf32>
    %add3A_99 = arith.addf %sub3A_96, %add3A_98 : vector<128x32x64xf32>
    %abs3A_100 = math.absf %add3A_99 : vector<128x32x64xf32>
    %reduce_sum3A_101 = arith.constant dense<0.000000e+00> : vector<128x32xf32>
    %reduce_sum3A_102 = vector.multi_reduction <add>, %abs3A_100, %reduce_sum3A_101 [2] : vector<128x32x64xf32> to vector<128x32xf32>
    %get3A_103 = arith.constant 0 : index
    %get3A_104 = arith.constant 0 : index
    %get3A_105 = memref.load %arg11[%get3A_103, %get3A_104] : memref<1x1xf32, #tpu.memory_space<smem>>
    %add3A_106 = arith.constant 1.000000e+00 : f32
    %add3A_107 = vector.broadcast %add3A_106 : f32 to vector<128x1xf32>
    %add3A_108 = arith.addf %broadcast_in_dim3A_56, %add3A_107 : vector<128x1xf32>
    %sub3A_109 = vector.broadcast %add3A_108 : vector<128x1xf32> to vector<128x32xf32>
    %sub3A_110 = arith.subf %sub3A_109, %reduce_sum3A_102 : vector<128x32xf32>
    %max3A_111 = arith.constant 0.000000e+00 : f32
    %max3A_112 = vector.broadcast %max3A_111 : f32 to vector<128x32xf32>
    %max3A_113 = arith.maximumf %sub3A_110, %max3A_112 : vector<128x32xf32>
    %reduce_sum3A_114 = vector.shape_cast %max3A_113 : vector<128x32xf32> to vector<1x128x32xf32>
    %reduce_sum3A_115 = arith.constant dense<0.000000e+00> : vector<1xf32>
    %reduce_sum3A_116 = vector.multi_reduction <add>, %reduce_sum3A_114, %reduce_sum3A_115 [1, 2] : vector<1x128x32xf32> to vector<1xf32>
    %reduce_sum3A_117 = vector.shape_cast %reduce_sum3A_116 : vector<1xf32> to vector<1x1x1xf32>
    %reduce_sum3A_118 = vector.extract %reduce_sum3A_117[0, 0, 0] : f32 from vector<1x1x1xf32>
    %add3A_119 = arith.addf %get3A_105, %reduce_sum3A_118 : f32
    %swap3A = arith.constant 0 : index
    %swap3A_120 = arith.constant 0 : index
    %swap3A_121 = memref.load %arg11[%swap3A, %swap3A_120] : memref<1x1xf32, #tpu.memory_space<smem>>
    memref.store %add3A_119, %arg11[%swap3A, %swap3A_120] : memref<1x1xf32, #tpu.memory_space<smem>>
    %get3A_122 = arith.constant 0 : index
    %get3A_123 = arith.constant 0 : index
    %get3A_124 = memref.load %arg12[%get3A_122, %get3A_123] : memref<1x1xf32, #tpu.memory_space<smem>>
    %mul3A_125 = arith.mulf %add3A, %add3A : vector<128x64xf32>
    %reduce_sum3A_126 = arith.constant dense<0.000000e+00> : vector<128xf32>
    %reduce_sum3A_127 = vector.multi_reduction <add>, %mul3A_125, %reduce_sum3A_126 [1] : vector<128x64xf32> to vector<128xf32>
    %sub3A_128 = arith.constant 1.000000e+00 : f32
    %sub3A_129 = vector.broadcast %sub3A_128 : f32 to vector<128xf32>
    %sub3A_130 = arith.subf %reduce_sum3A_127, %sub3A_129 : vector<128xf32>
    %max3A_131 = arith.constant 0.000000e+00 : f32
    %max3A_132 = vector.broadcast %max3A_131 : f32 to vector<128xf32>
    %max3A_133 = arith.maximumf %sub3A_130, %max3A_132 : vector<128xf32>
    %reduce_sum3A_134 = vector.shape_cast %max3A_133 : vector<128xf32> to vector<1x128xf32>
    %reduce_sum3A_135 = arith.constant dense<0.000000e+00> : vector<1xf32>
    %reduce_sum3A_136 = vector.multi_reduction <add>, %reduce_sum3A_134, %reduce_sum3A_135 [1] : vector<1x128xf32> to vector<1xf32>
    %reduce_sum3A_137 = vector.shape_cast %reduce_sum3A_136 : vector<1xf32> to vector<1x1xf32>
    %reduce_sum3A_138 = vector.extract %reduce_sum3A_137[0, 0] : f32 from vector<1x1xf32>
    %mul3A_139 = arith.mulf %add3A_19, %add3A_19 : vector<128x64xf32>
    %reduce_sum3A_140 = arith.constant dense<0.000000e+00> : vector<128xf32>
    %reduce_sum3A_141 = vector.multi_reduction <add>, %mul3A_139, %reduce_sum3A_140 [1] : vector<128x64xf32> to vector<128xf32>
    %sub3A_142 = arith.constant 1.000000e+00 : f32
    %sub3A_143 = vector.broadcast %sub3A_142 : f32 to vector<128xf32>
    %sub3A_144 = arith.subf %reduce_sum3A_141, %sub3A_143 : vector<128xf32>
    %max3A_145 = arith.constant 0.000000e+00 : f32
    %max3A_146 = vector.broadcast %max3A_145 : f32 to vector<128xf32>
    %max3A_147 = arith.maximumf %sub3A_144, %max3A_146 : vector<128xf32>
    %reduce_sum3A_148 = vector.shape_cast %max3A_147 : vector<128xf32> to vector<1x128xf32>
    %reduce_sum3A_149 = arith.constant dense<0.000000e+00> : vector<1xf32>
    %reduce_sum3A_150 = vector.multi_reduction <add>, %reduce_sum3A_148, %reduce_sum3A_149 [1] : vector<1x128xf32> to vector<1xf32>
    %reduce_sum3A_151 = vector.shape_cast %reduce_sum3A_150 : vector<1xf32> to vector<1x1xf32>
    %reduce_sum3A_152 = vector.extract %reduce_sum3A_151[0, 0] : f32 from vector<1x1xf32>
    %add3A_153 = arith.addf %reduce_sum3A_138, %reduce_sum3A_152 : f32
    %mul3A_154 = arith.mulf %add3A_78, %add3A_78 : vector<128x32x64xf32>
    %reduce_sum3A_155 = arith.constant dense<0.000000e+00> : vector<128x32xf32>
    %reduce_sum3A_156 = vector.multi_reduction <add>, %mul3A_154, %reduce_sum3A_155 [2] : vector<128x32x64xf32> to vector<128x32xf32>
    %sub3A_157 = arith.constant 1.000000e+00 : f32
    %sub3A_158 = vector.broadcast %sub3A_157 : f32 to vector<128x32xf32>
    %sub3A_159 = arith.subf %reduce_sum3A_156, %sub3A_158 : vector<128x32xf32>
    %max3A_160 = arith.constant 0.000000e+00 : f32
    %max3A_161 = vector.broadcast %max3A_160 : f32 to vector<128x32xf32>
    %max3A_162 = arith.maximumf %sub3A_159, %max3A_161 : vector<128x32xf32>
    %reduce_sum3A_163 = vector.shape_cast %max3A_162 : vector<128x32xf32> to vector<1x128x32xf32>
    %reduce_sum3A_164 = arith.constant dense<0.000000e+00> : vector<1xf32>
    %reduce_sum3A_165 = vector.multi_reduction <add>, %reduce_sum3A_163, %reduce_sum3A_164 [1, 2] : vector<1x128x32xf32> to vector<1xf32>
    %reduce_sum3A_166 = vector.shape_cast %reduce_sum3A_165 : vector<1xf32> to vector<1x1x1xf32>
    %reduce_sum3A_167 = vector.extract %reduce_sum3A_166[0, 0, 0] : f32 from vector<1x1x1xf32>
    %add3A_168 = arith.addf %add3A_153, %reduce_sum3A_167 : f32
    %mul3A_169 = arith.mulf %add3A_85, %add3A_85 : vector<128x32x64xf32>
    %reduce_sum3A_170 = arith.constant dense<0.000000e+00> : vector<128x32xf32>
    %reduce_sum3A_171 = vector.multi_reduction <add>, %mul3A_169, %reduce_sum3A_170 [2] : vector<128x32x64xf32> to vector<128x32xf32>
    %sub3A_172 = arith.constant 1.000000e+00 : f32
    %sub3A_173 = vector.broadcast %sub3A_172 : f32 to vector<128x32xf32>
    %sub3A_174 = arith.subf %reduce_sum3A_171, %sub3A_173 : vector<128x32xf32>
    %max3A_175 = arith.constant 0.000000e+00 : f32
    %max3A_176 = vector.broadcast %max3A_175 : f32 to vector<128x32xf32>
    %max3A_177 = arith.maximumf %sub3A_174, %max3A_176 : vector<128x32xf32>
    %reduce_sum3A_178 = vector.shape_cast %max3A_177 : vector<128x32xf32> to vector<1x128x32xf32>
    %reduce_sum3A_179 = arith.constant dense<0.000000e+00> : vector<1xf32>
    %reduce_sum3A_180 = vector.multi_reduction <add>, %reduce_sum3A_178, %reduce_sum3A_179 [1, 2] : vector<1x128x32xf32> to vector<1xf32>
    %reduce_sum3A_181 = vector.shape_cast %reduce_sum3A_180 : vector<1xf32> to vector<1x1x1xf32>
    %reduce_sum3A_182 = vector.extract %reduce_sum3A_181[0, 0, 0] : f32 from vector<1x1x1xf32>
    %add3A_183 = arith.addf %add3A_168, %reduce_sum3A_182 : f32
    %add3A_184 = arith.addf %get3A_124, %add3A_183 : f32
    %swap3A_185 = arith.constant 0 : index
    %swap3A_186 = arith.constant 0 : index
    %swap3A_187 = memref.load %arg12[%swap3A_185, %swap3A_186] : memref<1x1xf32, #tpu.memory_space<smem>>
    memref.store %add3A_184, %arg12[%swap3A_185, %swap3A_186] : memref<1x1xf32, #tpu.memory_space<smem>>
    %get3A_188 = arith.constant 0 : index
    %get3A_189 = arith.constant 0 : index
    %get3A_190 = memref.load %arg13[%get3A_188, %get3A_189] : memref<1x1xf32, #tpu.memory_space<smem>>
    %mul3A_191 = arith.mulf %div3A_43, %add3A_29 : vector<128x64xf32>
    %reduce_sum3A_192 = arith.constant dense<0.000000e+00> : vector<128xf32>
    %reduce_sum3A_193 = vector.multi_reduction <add>, %mul3A_191, %reduce_sum3A_192 [1] : vector<128x64xf32> to vector<128xf32>
    %integer_pow3A = arith.mulf %reduce_sum3A_193, %reduce_sum3A_193 : vector<128xf32>
    %reduce_sum3A_194 = vector.shape_cast %integer_pow3A : vector<128xf32> to vector<1x128xf32>
    %reduce_sum3A_195 = arith.constant dense<0.000000e+00> : vector<1xf32>
    %reduce_sum3A_196 = vector.multi_reduction <add>, %reduce_sum3A_194, %reduce_sum3A_195 [1] : vector<1x128xf32> to vector<1xf32>
    %reduce_sum3A_197 = vector.shape_cast %reduce_sum3A_196 : vector<1xf32> to vector<1x1xf32>
    %reduce_sum3A_198 = vector.extract %reduce_sum3A_197[0, 0] : f32 from vector<1x1xf32>
    %add3A_199 = arith.addf %get3A_190, %reduce_sum3A_198 : f32
    %swap3A_200 = arith.constant 0 : index
    %swap3A_201 = arith.constant 0 : index
    %swap3A_202 = memref.load %arg13[%swap3A_200, %swap3A_201] : memref<1x1xf32, #tpu.memory_space<smem>>
    memref.store %add3A_199, %arg13[%swap3A_200, %swap3A_201] : memref<1x1xf32, #tpu.memory_space<smem>>
    %get3A_203 = arith.constant 0 : index
    %get3A_204 = arith.constant 0 : index
    %get3A_205 = memref.load %arg14[%get3A_203, %get3A_204] : memref<1x1xf32, #tpu.memory_space<smem>>
    %mul3A_206 = arith.mulf %add3A_29, %add3A_29 : vector<128x64xf32>
    %reduce_sum3A_207 = arith.constant dense<0.000000e+00> : vector<128xf32>
    %reduce_sum3A_208 = vector.multi_reduction <add>, %mul3A_206, %reduce_sum3A_207 [1] : vector<128x64xf32> to vector<128xf32>
    %sub3A_209 = arith.constant 1.000000e+00 : f32
    %sub3A_210 = vector.broadcast %sub3A_209 : f32 to vector<128xf32>
    %sub3A_211 = arith.subf %reduce_sum3A_208, %sub3A_210 : vector<128xf32>
    %max3A_212 = arith.constant 0.000000e+00 : f32
    %max3A_213 = vector.broadcast %max3A_212 : f32 to vector<128xf32>
    %max3A_214 = arith.maximumf %sub3A_211, %max3A_213 : vector<128xf32>
    %reduce_sum3A_215 = vector.shape_cast %max3A_214 : vector<128xf32> to vector<1x128xf32>
    %reduce_sum3A_216 = arith.constant dense<0.000000e+00> : vector<1xf32>
    %reduce_sum3A_217 = vector.multi_reduction <add>, %reduce_sum3A_215, %reduce_sum3A_216 [1] : vector<1x128xf32> to vector<1xf32>
    %reduce_sum3A_218 = vector.shape_cast %reduce_sum3A_217 : vector<1xf32> to vector<1x1xf32>
    %reduce_sum3A_219 = vector.extract %reduce_sum3A_218[0, 0] : f32 from vector<1x1xf32>
    %add3A_220 = arith.addf %get3A_205, %reduce_sum3A_219 : f32
    %swap3A_221 = arith.constant 0 : index
    %swap3A_222 = arith.constant 0 : index
    %swap3A_223 = memref.load %arg14[%swap3A_221, %swap3A_222] : memref<1x1xf32, #tpu.memory_space<smem>>
    memref.store %add3A_220, %arg14[%swap3A_221, %swap3A_222] : memref<1x1xf32, #tpu.memory_space<smem>>
    %eq3A_224 = arith.constant 15 : i32
    %eq3A_225 = arith.cmpi eq, %arg0, %eq3A_224 : i32
    %convert_element_type3A_226 = arith.extui %eq3A_225 : i1 to i32
    %cond3A_227 = arith.constant 0 : i32
    %cond3A_228 = arith.cmpi ne, %convert_element_type3A_226, %cond3A_227 : i32
    scf.if %cond3A_228 {
      %get3A_229 = arith.constant 0 : index
      %get3A_230 = arith.constant 0 : index
      %get3A_231 = memref.load %arg11[%get3A_229, %get3A_230] : memref<1x1xf32, #tpu.memory_space<smem>>
      %swap3A_232 = arith.constant 0 : index
      %swap3A_233 = arith.constant 0 : index
      %swap3A_234 = memref.load %arg10[%swap3A_232, %swap3A_233] : memref<1x4xf32, #tpu.memory_space<smem>>
      memref.store %get3A_231, %arg10[%swap3A_232, %swap3A_233] : memref<1x4xf32, #tpu.memory_space<smem>>
      %get3A_235 = arith.constant 0 : index
      %get3A_236 = arith.constant 0 : index
      %get3A_237 = memref.load %arg12[%get3A_235, %get3A_236] : memref<1x1xf32, #tpu.memory_space<smem>>
      %swap3A_238 = arith.constant 0 : index
      %swap3A_239 = arith.constant 1 : index
      %swap3A_240 = memref.load %arg10[%swap3A_238, %swap3A_239] : memref<1x4xf32, #tpu.memory_space<smem>>
      memref.store %get3A_237, %arg10[%swap3A_238, %swap3A_239] : memref<1x4xf32, #tpu.memory_space<smem>>
      %get3A_241 = arith.constant 0 : index
      %get3A_242 = arith.constant 0 : index
      %get3A_243 = memref.load %arg13[%get3A_241, %get3A_242] : memref<1x1xf32, #tpu.memory_space<smem>>
      %swap3A_244 = arith.constant 0 : index
      %swap3A_245 = arith.constant 2 : index
      %swap3A_246 = memref.load %arg10[%swap3A_244, %swap3A_245] : memref<1x4xf32, #tpu.memory_space<smem>>
      memref.store %get3A_243, %arg10[%swap3A_244, %swap3A_245] : memref<1x4xf32, #tpu.memory_space<smem>>
      %get3A_247 = arith.constant 0 : index
      %get3A_248 = arith.constant 0 : index
      %get3A_249 = memref.load %arg14[%get3A_247, %get3A_248] : memref<1x1xf32, #tpu.memory_space<smem>>
      %swap3A_250 = arith.constant 0 : index
      %swap3A_251 = arith.constant 3 : index
      %swap3A_252 = memref.load %arg10[%swap3A_250, %swap3A_251] : memref<1x4xf32, #tpu.memory_space<smem>>
      memref.store %get3A_249, %arg10[%swap3A_250, %swap3A_251] : memref<1x4xf32, #tpu.memory_space<smem>>
    } else {
    }
    return
  }
  func.func @transform_0(%arg0: i32) -> (i32, i32) {
    %c0_i32 = arith.constant 0 : i32
    %c0_i32_0 = arith.constant 0 : i32
    return %arg0, %c0_i32 : i32, i32
  }
  func.func @transform_1(%arg0: i32) -> (i32, i32) {
    %add3A = arith.constant 16 : i32
    %add3A_0 = arith.addi %arg0, %add3A : i32
    %c0_i32 = arith.constant 0 : i32
    %c0_i32_1 = arith.constant 0 : i32
    return %add3A_0, %c0_i32 : i32, i32
  }
  func.func @transform_2(%arg0: i32) -> (i32, i32) {
    %add3A = arith.constant 1 : i32
    %add3A_0 = arith.addi %arg0, %add3A : i32
    %c0_i32 = arith.constant 0 : i32
    %c0_i32_1 = arith.constant 0 : i32
    return %add3A_0, %c0_i32 : i32, i32
  }
  func.func @transform_3(%arg0: i32) -> (i32, i32) {
    %add3A = arith.constant 17 : i32
    %add3A_0 = arith.addi %arg0, %add3A : i32
    %c0_i32 = arith.constant 0 : i32
    %c0_i32_1 = arith.constant 0 : i32
    return %add3A_0, %c0_i32 : i32, i32
  }
  func.func @transform_4(%arg0: i32) -> (i32, i32) {
    %add3A = arith.constant 16 : i32
    %add3A_0 = arith.addi %arg0, %add3A : i32
    %c0_i32 = arith.constant 0 : i32
    %c0_i32_1 = arith.constant 0 : i32
    return %add3A_0, %c0_i32 : i32, i32
  }
  func.func @transform_5(%arg0: i32) -> (i32, i32) {
    %add3A = arith.constant 16 : i32
    %add3A_0 = arith.addi %arg0, %add3A : i32
    %c0_i32 = arith.constant 0 : i32
    %c0_i32_1 = arith.constant 0 : i32
    return %add3A_0, %c0_i32 : i32, i32
  }
  func.func @transform_6(%arg0: i32) -> (i32, i32) {
    %c0_i32 = arith.constant 0 : i32
    %c0_i32_0 = arith.constant 0 : i32
    return %arg0, %c0_i32 : i32, i32
  }
  func.func @transform_7(%arg0: i32) -> (i32, i32) {
    %c0_i32 = arith.constant 0 : i32
    %c0_i32_0 = arith.constant 0 : i32
    return %arg0, %c0_i32 : i32, i32
  }
  func.func @transform_8(%arg0: i32) -> (i32, i32) {
    %c0_i32 = arith.constant 0 : i32
    %c0_i32_0 = arith.constant 0 : i32
    return %arg0, %c0_i32 : i32, i32
  }
  func.func @transform_9(%arg0: i32) -> (i32, i32) {
    %c0_i32 = arith.constant 0 : i32
    %c0_i32_0 = arith.constant 0 : i32
    %c0_i32_1 = arith.constant 0 : i32
    return %c0_i32, %c0_i32_0 : i32, i32
  }
}

</mosaic_0001>

<sc_bundles>
// kernel: kernel.10.cloned.1.call-start
scs
__scs_entry_jumppad:
0x0: {  	(pc) =	sbr.rel $0x88, $3  }
0x1: {  	(tag) =	ssettag $0x0;
	lr =	simm.s32 $0x1  }
0x2: {  	[smem:$0x3F9A] =	sst lr;
	_ =	strace $0xD0000000  }
0x3: {  	_ = 	snop  }
0x4: {  	_ = 	snop  }
0x5: {  	_ = 	snop  }
0x6: {  	_ = 	snop  }
0x7: {  	_ = 	snop  }
__scs_overlays_trampoline_lowered:
0x8: {  	[smem:$0x3FA9] =	sst s0  }
0x9: {  	[smem:$0x3FAA] =	sst s1  }
0xa: {  	[smem:$0x3FAB] =	sst s2  }
0xb: {  	[smem:$0x3FAC] =	sst s3  }
0xc: {  	[smem:$0x3FAD] =	sst s4  }
0xd: {  	[smem:$0x3FAE] =	sst s5  }
0xe: {  	[smem:$0x3FAF] =	sst s6  }
0xf: {  	[smem:$0x3FB0] =	sst s7  }
0x10: {  	[smem:$0x3FB1] =	sst s8  }
0x11: {  	[smem:$0x3FB2] =	sst s9;
	s0 =	simm.s32 @!p0 $0x0  }
0x12: {  	s1 =	sld [smem:$0x3F98];
	s0 =	simm.s32 @p0 $0x1  }
0x13: {  	[smem:$0x3FB3] =	sst s0;
	s0 =	simm.s32 @!p1 $0x0  }
0x14: {  	s2 =	sld [smem:$0x3F97];
	s0 =	simm.s32 @p1 $0x1  }
0x15: {  	[smem:$0x3FB4] =	sst s0;
	s0 =	simm.s32 @!p2 $0x0  }
0x16: {  	s3 =	sld [smem:$0x3FDB];
	s0 =	simm.s32 @p2 $0x1  }
0x17: {  	s4 =	simm.s32 $0x1BF5;
	[smem:$0x3FB6] =	sst s0  }
0x18: {  	s0 =	sld [smem:$0x3F99];
	_ =	swait.ge [sflag:s4], $0x0  }
0x19: {  	s7 =	sld [smem:$0x3F9A]  }
0x1a: {  	s8 =	sadd.s32 $0xFFFFE003, lr  }
0x1b: {  	s9 =	sadd.s32 $0xFFFFFEF7, lr;
	s5 =	simm.s32 $0xFFFFFFFF;
	p2 =	slt.u32 s8, $0xFFFFF086  }
0x1c: {  	p1 =	slt.u32 s9, $0xF7A;
	s5 =	simm.s32 @!p2 $0x0  }
0x1d: {  	s5 =	simm.s32 @p1 $0x1;
	p0 =	seq.s32 s7, s2  }
0x1e: {  	s7 =	smul.u32 @!p0 $0xF7A, s2;
	p2 =	seq.s32 @!p0 s5, $0x0  }
0x1f: {  	s9 =	smul.u32 $0xF7A, s1;
	s8 =	simm.s32 @!p0 $0x1BF5;
	p2 =	por !p2, p0  }
0x20: {  	[sflag:s8] =	ssyncset.s32 @!p0 $0xFFFFF086;
	s6 =	sadd.s32 @!p0 s3, s7;
	s7 =	simm.s32 @!p0 $0x108  }
0x21: {  	s3 =	sadd.s32 s3, s9;
	s6 =	sadd.s32 @!p0 $0x88, s6;
	s7 =	simm.s32 @p2 $0x1082  }
0x22: {  	[simem:s7], [sflag:s8] =	dma.local @!p0 [hbm:s6], $0xF7A  }
0x23: {  	s9 =	sor.u32 $0xD0000000, s2;
	s6 =	simm.s32 $0x108;
	_ =	swait.ge @!p0 [sflag:s8], $0x0  }
0x24: {  	s3 =	sadd.s32 $0x88, s3;
	s6 =	simm.s32 @!p1 $0x1082;
	[sflag:s4] =	ssyncset.s32 $0xFFFFF086  }
0x25: {  	[simem:s6], [sflag:s4] =	dma.local [hbm:s3], $0xF7A  }
0x26: {  	[smem:$0x3F9A] =	sst s1;
	(tag) =	ssettag s2;
	_ =	strace s9  }
0x27: {  	s1 =	sld [smem:$0x3FAA]  }
0x28: {  	s2 =	sld [smem:$0x3FAB]  }
0x29: {  	s4 =	sld [smem:$0x3FAD]  }
0x2a: {  	p0 =	seq.s32 s5, $0x0;
	s5 =	sld [smem:$0x3FAE]  }
0x2b: {  	s6 =	sld [smem:$0x3FAF]  }
0x2c: {  	s7 =	sld [smem:$0x3FB0]  }
0x2d: {  	s3 =	simm.s32 $0x108;
	s8 =	sld [smem:$0x3FB1]  }
0x2e: {  	s3 =	simm.s32 @!p0 $0x1082;
	s9 =	sld [smem:$0x3FB2]  }
0x2f: {  	lr =	sadd.s32 s0, s3;
	s0 =	sld [smem:$0x3FA9]  }
0x30: {  	s3 =	sld [smem:$0x3FAC]  }
0x31: {  	[smem:$0x3FB5] =	sst s10  }
0x32: {  	s10 =	sld [smem:$0x3FB3];
	_ =	sdelay $0x3  }
0x33: {  	p0 =	seq.s32 s10, $0x1;
	s10 =	sld [smem:$0x3FB5];
	_ =	sdelay $0x3  }
0x34: {  	[smem:$0x3FB5] =	sst s10  }
0x35: {  	s10 =	sld [smem:$0x3FB4];
	_ =	sdelay $0x3  }
0x36: {  	p1 =	seq.s32 s10, $0x1;
	s10 =	sld [smem:$0x3FB5];
	_ =	sdelay $0x3  }
0x37: {  	[smem:$0x3FB5] =	sst s10  }
0x38: {  	s10 =	sld [smem:$0x3FB6]  }
0x39: {  	_ = 	snop;
	(pc) =	sbr.ind lr, $3  }
0x3a: {  	_ = 	snop  }
0x3b: {  	_ = 	snop  }
0x3c: {  	p2 =	seq.s32 s10, $0x1;
	s10 =	sld [smem:$0x3FB5]  }
0x3d: {  	_ =	shalt  }
0x3e: {  	_ =	shalt  }
0x3f: {  	_ =	shalt  }
0x40: {  	_ =	shalt  }
0x41: {  	_ =	shalt  }
0x42: {  	_ =	shalt  }
0x43: {  	_ =	shalt  }
0x44: {  	_ =	shalt  }
0x45: {  	_ =	shalt  }
0x46: {  	_ =	shalt  }
0x47: {  	_ =	shalt  }
0x48: {  	_ =	shalt  }
0x49: {  	_ =	shalt  }
0x4a: {  	_ =	shalt  }
0x4b: {  	_ =	shalt  }
0x4c: {  	_ =	shalt  }
0x4d: {  	_ =	shalt  }
0x4e: {  	_ =	shalt  }
0x4f: {  	_ =	shalt  }
0x50: {  	_ =	shalt  }
0x51: {  	_ =	shalt  }
0x52: {  	_ =	shalt  }
0x53: {  	_ =	shalt  }
0x54: {  	_ =	shalt  }
0x55: {  	_ =	shalt  }
0x56: {  	_ =	shalt  }
0x57: {  	_ =	shalt  }
0x58: {  	_ =	shalt  }
0x59: {  	_ =	shalt  }
0x5a: {  	_ =	shalt  }
0x5b: {  	_ =	shalt  }
0x5c: {  	_ =	shalt  }
0x5d: {  	_ =	shalt  }
0x5e: {  	_ =	shalt  }
0x5f: {  	_ =	shalt  }
0x60: {  	_ =	shalt  }
0x61: {  	_ =	shalt  }
0x62: {  	_ =	shalt  }
0x63: {  	_ =	shalt  }
0x64: {  	_ =	shalt  }
0x65: {  	_ =	shalt  }
0x66: {  	_ =	shalt  }
0x67: {  	_ =	shalt  }
0x68: {  	_ =	shalt  }
0x69: {  	_ =	shalt  }
0x6a: {  	_ =	shalt  }
0x6b: {  	_ =	shalt  }
0x6c: {  	_ =	shalt  }
0x6d: {  	_ =	shalt  }
0x6e: {  	_ =	shalt  }
0x6f: {  	_ =	shalt  }
0x70: {  	_ =	shalt  }
0x71: {  	_ =	shalt  }
0x72: {  	_ =	shalt  }
0x73: {  	_ =	shalt  }
0x74: {  	_ =	shalt  }
0x75: {  	_ =	shalt  }
0x76: {  	_ =	shalt  }
0x77: {  	_ =	shalt  }
0x78: {  	_ =	shalt  }
0x79: {  	_ =	shalt  }
0x7a: {  	_ =	shalt  }
0x7b: {  	_ =	shalt  }
0x7c: {  	_ =	shalt  }
0x7d: {  	_ =	shalt  }
0x7e: {  	_ =	shalt  }
0x7f: {  	_ =	shalt  }
0x80: {  	_ =	shalt  }
0x81: {  	_ =	shalt  }
0x82: {  	_ =	shalt  }
0x83: {  	_ =	shalt  }
0x84: {  	_ =	shalt  }
0x85: {  	_ =	shalt  }
0x86: {  	_ =	shalt  }
0x87: {  	_ =	shalt  }
.Lfunc_end0:
.L_simem_size_0:
called_computation.1_lowered:
.L_overlay_start_0:
0x88: {  	s2 =	sld [smem:$0x3FD9]  }
0x89: {  	s3 =	sld [smem:$0x3FFE];
	_ =	sdelay $0x1  }
0x8a: {  	s1 =	srdreg.scid  }
0x8b: {  	s0 =	sand.u32 $0x1, s1  }
0x8c: {  	s17 =	sshll.u32 s0, $0xA;
	s2 =	sadd.s32 s3, s2  }
0x8d: {  	s2 =	sadd.s32 s2, s17  }
0x8e: {  	[smem:$0x3FC1] =	sst s2  }
0x8f: {  	_ = 	snop  }
0x90: {  	(tm) =	ssettm $0x1  }
0x91: {  	s18 =	sld [smem:$0x3FFB];
	_ =	sdelay $0x3  }
0x92: {  	_ =	strace s18  }
0x93: {  	s2 =	sld [smem:$0x3FFC];
	_ =	sdelay $0x3  }
0x94: {  	_ =	strace s2  }
0x95: {  	s2 =	sld [smem:$0x3FFD];
	_ =	sdelay $0x3  }
0x96: {  	_ =	strace s2  }
0x97: {  	_ =	strace $0x8FFFFFFF  }
0x98: {  	s19 =	sld [smem:$0x3FDB];
	_ =	sdelay $0x1  }
0x99: {  	s20 =	simm.s32 $_scs_section_size  }
0x9a: {  	s4 =	simm.s32 $_size__tile_overlayer_lowered;
	s5 =	simm.s32 $_tile_overlayer_lowered  }
0x9b: {  	s6 =	simm.s32 $0x1BFF;
	s21 =	sshll.u32 s5, $0x1;
	s3 =	sadd.s32 s20, s19  }
0x9c: {  	s22 =	simm.s32 $0x0;
	s4 =	sshll.u32 s4, $0x1;
	s5 =	sadd.s32 s21, s3  }
0x9d: {  	[timem:s22], [sflag:s6] =	dma.local [hbm:s5], s4  }
0x9e: {  	_ =	swait.ge [sflag:s6], s4  }
0x9f: {  	s4 =	ssub.s32 $0x0, s4;
	[sflag:s6] =	ssyncset.done $0x0  }
0xa0: {  	[sflag:s6] =	ssyncadd.s32 s4;
	_ =	sdelay $0x1  }
0xa1: {  	s23 =	simm.s32 $0x1B8B  }
0xa2: {  	_ =	swait.ge [sflag:s23], $0x1  }
0xa3: {  	[sflag:s23] =	ssyncset.done $0x0  }
0xa4: {  	[sflag:s23] =	ssyncadd.s32 $0xFFFFFFFF  }
0xa5: {  	s4 =	sld [smem:$0x0]  }
0xa6: {  	s5 =	sand.u32 $0xFFFFFFFE, s1  }
0xa7: {  	p0 =	sne.s32 s1, s5  }
0xa8: {  	s5 =	sshll.u32 @p0 s5, $0xE  }
0xa9: {  	s5 =	sadd.s32 @p0 $0x11B8D, s5;
	s6 =	sshll.u32 @p0 s4, $0x11  }
0xaa: {  	s5 =	sor.u32 @p0 s6, s5  }
0xab: {  	[sflag:s5] =	ssyncadd.remote.s32 @p0 $0x1;
	_ =	sdelay $0x1  }
0xac: {  	s5 =	simm.s32 @p0 $0x1B8D  }
0xad: {  	_ =	swait.eq @p0 [sflag:s5], $0x1  }
0xae: {  	[sflag:s5] =	ssyncadd.s32 @p0 $0xFFFFFFFF  }
0xaf: {  	s6 =	sshll.u32 @!p0 s1, $0xE  }
0xb0: {  	s6 =	sor.u32 @!p0 $0x4000, s6;
	s5 =	simm.s32 @!p0 $0x1B8D  }
0xb1: {  	s4 =	sshll.u32 @!p0 s4, $0x11;
	s6 =	sadd.s32 @!p0 $0x11B8D, s6;
	_ =	swait.eq @!p0 [sflag:s5], $0x1  }
0xb2: {  	s4 =	sor.u32 @!p0 s4, s6;
	[sflag:s5] =	ssyncadd.s32 @!p0 $0xFFFFFFFF  }
0xb3: {  	s25 =	simm.s32 $0x1B8E;
	s24 =	sld [smem:$0x3FFE];
	[sflag:s4] =	ssyncadd.remote.s32 @!p0 $0x1  }
0xb4: {  	s26 =	simm.s32 $execute0_lowered;
	[smem:$0x3FD2] =	sst s25  }
0xb5: {  	s5 =	sshll.u32 s26, $0x1;
	_ =	strace $0x80000049;
	[dreg:$0x1] =	wrdreg $0xFFFFFFFF  }
0xb6: {  	s28 =	simm.s32 $_size_execute0_lowered;
	s3 =	sadd.s32 s3, s5;
	[dreg:$0x0] =	wrdreg $0x0  }
0xb7: {  	s5 =	sshll.u32 s28, $0x1;
	[dreg:$0x2] =	wrdreg s3  }
0xb8: {  	[dreg:$0x3] =	wrdreg s5  }
0xb9: {  	[dreg:$0x4] =	wrdreg $0xC0  }
0xba: {  	_ =	task [dreg:s22], $0x5FFFF  }
0xbb: {  	[dreg:$0x1] =	wrdreg $0xFFFFFFFF  }
0xbc: {  	[dreg:$0x0] =	wrdreg $0x60  }
0xbd: {  	[dreg:$0x2] =	wrdreg s24  }
0xbe: {  	[dreg:$0x3] =	wrdreg $0xA  }
0xbf: {  	_ =	task.clear_ibuf [dreg:s22], $0x4FFFF;
	_ =	strace $0x90000049  }
0xc0: {  	s29 =	simm.s32 $0xA;
	_ =	strace $0x8000004B  }
0xc1: {  	_ =	swait.ge [sflag:s29], $0x1  }
0xc2: {  	[sflag:s29] =	ssyncadd.s32 $0xFFFFFFFF  }
0xc3: {  	_ =	strace $0x9000004B  }
0xc4: {  	_ =	sfence  }
0xc5: {  	s30 =	sld [smem:$0x0];
	_ =	sdelay $0x2  }
0xc6: {  	s31 =	sshll.u32 s1, $0xD;
	s1 =	sshrl.u32 s1, $0x2  }
0xc7: {  	s4 =	sand.u32 $0x4000, s31;
	s1 =	sadd.s32 s1, s30  }
0xc8: {  	s0 =	sor.u32 s4, s0;
	s1 =	sshll.u32 s1, $0x11  }
0xc9: {  	s0 =	sor.u32 s1, s0  }
0xca: {  	s0 =	sadd.s32 $0x8F2B, s0  }
0xcb: {  	[sflag:s0] =	ssyncadd.remote.s32 $0x1  }
0xcc: {  	_ =	sfence.sel $0xFFFF  }
0xcd: {  	[dreg:$0x0] =	wrdreg $0xFFFFFFFF;
	(pc) =	sbr.abs _section_cstart, $3  }
0xce: {  	[dreg:$0x1] =	wrdreg $0xFFFFFFFF  }
0xcf: {  	_ =	task.clear_ibuf [dreg:s22], $0x2FFFF;
	_ =	strace $0x9FFFFFFF  }
0xd0: {  	(tm) =	ssettm $0x7FFFFFFF  }
0xd1: {  	_ =	shalt  }
tec
execute0_lowered:
.L_overlay_start_1:
0x0: {  	(tag) =	ssettag $0x1  }
0x1: {  	s1 =	srdreg.scid  }
0x2: {  	s0 =	stileid.u32;
	s4 =	rddreg [dreg:$0x0];
	s2 =	simm.s32 $0x0  }
0x3: {  	s13 =	simm.s32 $0x5400;
	s14 =	simm.s32 $0x1;
	s15 =	simm.s32 $0x2  }
0x4: {  	s16 =	simm.s32 $0xF80;
	s17 =	simm.s32 $0x1000;
	s18 =	simm.s32 $0x0  }
0x5: {  	s6 =	sand.u32 $0x1, s1;
	s3 =	sshll.u32 s0, $0x1;
	s30 =	smul.u32 $0x21000, s0  }
0x6: {  	s1 =	rddreg [dreg:$0x1];
	s5 =	sor.u32 s6, s3;
	s12 =	smul.u32 $0x10800, s6  }
0x7: {  	[smem:$0x7FF] =	sst s2;
	s9 =	sadd.s32 $0x9FF000, s4;
	s7 =	smul.u32 $0x280, s5  }
0x8: {  	_ =	strace $0x8000004A;
	s26 =	ssub.s32 $0x2, s6;
	s8 =	smul.u32 $0x84000, s5  }
0x9: {  	s3 =	sadd.s32 $0x5A00, s4;
	s10 =	sshrl.u32 s26, $0x1;
	s11 =	smul.u32 $0x10800, s5  }
0xa: {  	s29 =	ssub.s32 s26, s10;
	s10 =	simm.s32 $0x3;
	s7 =	sadd.s32 s7, s4  }
0xb: {  	s28 =	sshrl.u32 s8, $0x3;
	s6 =	smax.u32 s29, $0x1;
	s31 =	sadd.s32 s9, s11  }
0xc: {  	s11 =	simm.s32 $0x80;
	s5 =	sadd.s32 s9, s28;
	s4 =	sadd.s32 $0x9FA000, s7  }
0xd: {  	s9 =	sadd.s32 s30, s9;
	s7 =	sadd.s32 $0xF000, s31;
	s8 =	sadd.s32 $0xF800, s31  }
0xe: {  	s5 =	sadd.s32 $0x10000, s5;
	s9 =	sadd.s32 s12, s9;
	s12 =	simm.s32 $0x1400  }
.LBB2_1:
0xf: {  	[tilespmem:s2], [sflag:$0x3] =	stream.linear.gather [hbm4b:s4+s2], $0x1080, $0x38;
	[tilespmem:$0x9400] =	vst v63  }
0x10: {  	_ =	swait.ge [sflag:s10], $0x1080  }
0x11: {  	[sflag:s10] =	ssyncset.done $0x0  }
0x12: {  	[sflag:s10] =	ssyncadd.s32 $0xFFFFEF80  }
0x13: {  	[tilespmem:s12], [sflag:$0x1] =	stream.indirect.gather [hbm4b:s3+s11], $0x80, s2, s11, $0xb8;
	[tilespmem:$0x9400] =	vst v63  }
0x14: {  	s19 =	simm.s32 $0x80  }
0x15: {  	[tilespmem:s13], [sflag:$0x2] =	stream.indirect.gather [hbm4b:s3+s11], $0x80, s19, s11, $0xb8;
	[tilespmem:$0x9400] =	vst v63  }
0x16: {  	_ =	swait.ge [sflag:s14], $0x4000  }
0x17: {  	[sflag:s14] =	ssyncset.done $0x0  }
0x18: {  	s31 =	sadd.s32 $0x0, s9;
	[sflag:s14] =	ssyncadd.s32 $0xFFFFC000  }
0x19: {  	[hbm4b:s31+s2] =	stream.linear.scatter [tilespmem:s12], [sflag:$0x3], $0x4000, $0x38;
	[tilespmem:$0x9400] =	vst v63  }
0x1a: {  	_ =	swait.ge [sflag:s10], $0x4000  }
0x1b: {  	[sflag:s10] =	ssyncset.done $0x0  }
0x1c: {  	s20 =	simm.s32 $0x100;
	[sflag:s10] =	ssyncadd.s32 $0xFFFFC000  }
0x1d: {  	[tilespmem:s12], [sflag:$0x1] =	stream.indirect.gather [hbm4b:s3+s11], $0x80, s20, s11, $0xb8;
	[tilespmem:$0x9400] =	vst v63  }
0x1e: {  	_ =	swait.ge [sflag:s15], $0x4000  }
0x1f: {  	[sflag:s15] =	ssyncset.done $0x0  }
0x20: {  	s19 =	sadd.s32 $0x800, s31;
	[sflag:s15] =	ssyncadd.s32 $0xFFFFC000  }
0x21: {  	[hbm4b:s19+s2] =	stream.linear.scatter [tilespmem:s13], [sflag:$0x3], $0x4000, $0x38;
	[tilespmem:$0x9400] =	vst v63  }
0x22: {  	s21 =	simm.s32 $0x2000;
	_ =	swait.ge [sflag:s10], $0x4000  }
0x23: {  	s20 =	simm.s32 $0x1000;
	s19 =	simm.s32 $0x200;
	[sflag:s10] =	ssyncset.done $0x0  }
.LBB2_2:
0x24: {  	p0 =	sne.s32 s21, $0xE000;
	s22 =	sadd.s32 $0xFFFFFF80, s19;
	[sflag:s10] =	ssyncadd.s32 $0xFFFFC000  }
0x25: {  	[tilespmem:s13], [sflag:$0x2] =	stream.indirect.gather [hbm4b:s3+s11], $0x80, s22, s11, $0xb8;
	[tilespmem:$0x9400] =	vst v63  }
0x26: {  	s22 =	smov.u32 s21;
	s21 =	sadd.s32 $0x1000, s21;
	_ =	swait.ge [sflag:s14], $0x4000  }
0x27: {  	[sflag:s14] =	ssyncset.done $0x0  }
0x28: {  	s23 =	sadd.s32 s20, s9;
	s20 =	smov.u32 s22;
	[sflag:s14] =	ssyncadd.s32 $0xFFFFC000  }
0x29: {  	[hbm4b:s23+s2] =	stream.linear.scatter [tilespmem:s12], [sflag:$0x3], $0x4000, $0x38;
	[tilespmem:$0x9400] =	vst v63  }
0x2a: {  	_ =	swait.ge [sflag:s10], $0x4000  }
0x2b: {  	[sflag:s10] =	ssyncset.done $0x0  }
0x2c: {  	[sflag:s10] =	ssyncadd.s32 $0xFFFFC000  }
0x2d: {  	[tilespmem:s12], [sflag:$0x1] =	stream.indirect.gather [hbm4b:s3+s11], $0x80, s19, s11, $0xb8;
	[tilespmem:$0x9400] =	vst v63  }
0x2e: {  	_ =	swait.ge [sflag:s15], $0x4000  }
.Ltmp0:
0x2f: {  	[sflag:s15] =	ssyncset.done $0x0;
	(pc) =	sbr.rel @p0 .LBB2_2-.Ltmp0, $4  }
0x30: {  	s22 =	sadd.s32 $0x800, s23;
	[sflag:s15] =	ssyncadd.s32 $0xFFFFC000  }
0x31: {  	[hbm4b:s22+s2] =	stream.linear.scatter [tilespmem:s13], [sflag:$0x3], $0x4000, $0x38;
	[tilespmem:$0x9400] =	vst v63  }
0x32: {  	_ =	swait.ge [sflag:s10], $0x4000  }
0x33: {  	s19 =	sadd.s32 $0x100, s19;
	[sflag:s10] =	ssyncset.done $0x0  }
0x34: {  	s21 =	sadd.s32 $0xFFFFFF80, s19;
	[sflag:s10] =	ssyncadd.s32 $0xFFFFC000  }
0x35: {  	[tilespmem:s13], [sflag:$0x2] =	stream.indirect.gather [hbm4b:s3+s11], $0x80, s21, s11, $0xb8;
	[tilespmem:$0x9400] =	vst v63  }
0x36: {  	_ =	swait.ge [sflag:s14], $0x4000  }
0x37: {  	[sflag:s14] =	ssyncset.done $0x0  }
0x38: {  	s20 =	sadd.s32 s20, s9;
	[sflag:s14] =	ssyncadd.s32 $0xFFFFC000  }
0x39: {  	[hbm4b:s20+s2] =	stream.linear.scatter [tilespmem:s12], [sflag:$0x3], $0x4000, $0x38;
	[tilespmem:$0x9400] =	vst v63  }
0x3a: {  	_ =	swait.ge [sflag:s10], $0x4000  }
0x3b: {  	[sflag:s10] =	ssyncset.done $0x0  }
0x3c: {  	[sflag:s10] =	ssyncadd.s32 $0xFFFFC000  }
0x3d: {  	[tilespmem:s12], [sflag:$0x1] =	stream.indirect.gather [hbm4b:s3+s11], $0x80, s19, s11, $0xb8;
	[tilespmem:$0x9400] =	vst v63  }
0x3e: {  	_ =	swait.ge [sflag:s15], $0x4000  }
0x3f: {  	[sflag:s15] =	ssyncset.done $0x0  }
0x40: {  	s31 =	sadd.s32 $0x800, s20;
	[sflag:s15] =	ssyncadd.s32 $0xFFFFC000  }
0x41: {  	[hbm4b:s31+s2] =	stream.linear.scatter [tilespmem:s13], [sflag:$0x3], $0x4000, $0x38;
	[tilespmem:$0x9400] =	vst v63  }
0x42: {  	_ =	swait.ge [sflag:s10], $0x4000  }
0x43: {  	[sflag:s10] =	ssyncset.done $0x0  }
0x44: {  	[sflag:s10] =	ssyncadd.s32 $0xFFFFC000  }
0x45: {  	[tilespmem:s13], [sflag:$0x2] =	stream.indirect.gather [hbm4b:s3+s11], $0x80, s16, s11, $0xb8;
	[tilespmem:$0x9400] =	vst v63  }
0x46: {  	_ =	swait.ge [sflag:s14], $0x4000  }
0x47: {  	[sflag:s14] =	ssyncset.done $0x0  }
0x48: {  	[sflag:s14] =	ssyncadd.s32 $0xFFFFC000  }
0x49: {  	[hbm4b:s7+s2] =	stream.linear.scatter [tilespmem:s12], [sflag:$0x3], $0x4000, $0x38;
	[tilespmem:$0x9400] =	vst v63  }
0x4a: {  	_ =	swait.ge [sflag:s10], $0x4000  }
0x4b: {  	[sflag:s10] =	ssyncset.done $0x0  }
0x4c: {  	[sflag:s10] =	ssyncadd.s32 $0xFFFFC000  }
0x4d: {  	_ =	swait.ge [sflag:s15], $0x4000  }
0x4e: {  	[sflag:s15] =	ssyncset.done $0x0  }
0x4f: {  	[sflag:s15] =	ssyncadd.s32 $0xFFFFC000  }
0x50: {  	[hbm4b:s8+s2] =	stream.linear.scatter [tilespmem:s13], [sflag:$0x3], $0x4000, $0x38;
	[tilespmem:$0x9400] =	vst v63  }
0x51: {  	_ =	swait.ge [sflag:s10], $0x4000  }
0x52: {  	[sflag:s10] =	ssyncset.done $0x0  }
0x53: {  	[sflag:s10] =	ssyncadd.s32 $0xFFFFC000  }
0x54: {  	[tilespmem:s12], [sflag:$0x1] =	stream.indirect.gather [hbm4b:s3+s11], $0x80, s17, s11, $0xb8;
	[tilespmem:$0x9400] =	vst v63  }
0x55: {  	s18 =	sadd.s32 $0x1, s18;
	_ =	swait.ge [sflag:s14], $0x4000  }
0x56: {  	p0 =	sne.s32 s18, s6;
	[sflag:s14] =	ssyncset.done $0x0  }
.Ltmp1:
0x57: {  	[sflag:s14] =	ssyncadd.s32 $0xFFFFC000;
	(pc) =	sbr.rel @p0 .LBB2_1-.Ltmp1, $4  }
0x58: {  	[hbm4b:s5+s2] =	stream.linear.scatter [tilespmem:s12], [sflag:$0x3], $0x4000, $0x38;
	[tilespmem:$0x9400] =	vst v63  }
0x59: {  	_ =	swait.ge [sflag:s10], $0x4000  }
0x5a: {  	[sflag:s10] =	ssyncset.done $0x0  }
0x5b: {  	[sflag:s10] =	ssyncadd.s32 $0xFFFFC000  }
0x5c: {  	_ =	sfence.sel $0x180000  }
0x5d: {  	[bflag:$0x0] =	sbarrier.arrive $0xFFFF  }
0x5e: {  	p0 =	sne.s32 s0, $0x0;
	_ =	strace $0x9000004A  }
0x5f: {  	s0 =	sadd.s32 @!p0 $0x100000, s1;
	[bflag:$0x2] =	sbarrier.arrive $0xFFFF  }
0x60: {  	[sflag:s0] =	ssyncadd.tile.s32 @!p0 $0x1;
	_ =	shalt  }
.Lfunc_end2:
_tile_overlayer_lowered:
.L_overlay_start_2:
0x61: {  	(tag) =	ssettag $0x2  }
0x62: {  	s0 =	rddreg [dreg:$0x0];
	s2 =	stileid.u32  }
0x63: {  	s1 =	rddreg [dreg:$0x1];
	p0 =	sne.s32 s2, $0x0  }
0x64: {  	s3 =	rddreg [dreg:$0x2];
	[bflag:$0x3] =	sbarrier.arrive $0xFFFF;
	s2 =	simm.s32 @!p0 $0x1C03  }
0x65: {  	[timem:s3], [sflag:s2] =	dma.local @!p0 [hbm:s0], s1  }
0x66: {  	s0 =	simm.s32 @!p0 $0x3  }
0x67: {  	_ =	swait.ge @!p0 [sflag:s0], s1  }
0x68: {  	s1 =	ssub.s32 @!p0 $0x0, s1;
	[sflag:s0] =	ssyncset.done @!p0 $0x0  }
0x69: {  	[sflag:s0] =	ssyncadd.s32 @!p0 s1  }
0x6a: {  	[bflag:$0x3] =	sbarrier.arrive $0xFFFF  }
0x6b: {  	_ =	shalt  }

// kernel: kernel.7.cloned.1.call-start
scs
__scs_entry_jumppad:
0x0: {  	(pc) =	sbr.rel $0x88, $3  }
0x1: {  	(tag) =	ssettag $0x0;
	lr =	simm.s32 $0x1  }
0x2: {  	[smem:$0x3F9A] =	sst lr;
	_ =	strace $0xD0000000  }
0x3: {  	_ = 	snop  }
0x4: {  	_ = 	snop  }
0x5: {  	_ = 	snop  }
0x6: {  	_ = 	snop  }
0x7: {  	_ = 	snop  }
__scs_overlays_trampoline_lowered:
0x8: {  	[smem:$0x3FA9] =	sst s0  }
0x9: {  	[smem:$0x3FAA] =	sst s1  }
0xa: {  	[smem:$0x3FAB] =	sst s2  }
0xb: {  	[smem:$0x3FAC] =	sst s3  }
0xc: {  	[smem:$0x3FAD] =	sst s4  }
0xd: {  	[smem:$0x3FAE] =	sst s5  }
0xe: {  	[smem:$0x3FAF] =	sst s6  }
0xf: {  	[smem:$0x3FB0] =	sst s7  }
0x10: {  	[smem:$0x3FB1] =	sst s8  }
0x11: {  	[smem:$0x3FB2] =	sst s9;
	s0 =	simm.s32 @!p0 $0x0  }
0x12: {  	s1 =	sld [smem:$0x3F98];
	s0 =	simm.s32 @p0 $0x1  }
0x13: {  	[smem:$0x3FB3] =	sst s0;
	s0 =	simm.s32 @!p1 $0x0  }
0x14: {  	s2 =	sld [smem:$0x3F97];
	s0 =	simm.s32 @p1 $0x1  }
0x15: {  	[smem:$0x3FB4] =	sst s0;
	s0 =	simm.s32 @!p2 $0x0  }
0x16: {  	s3 =	sld [smem:$0x3FDB];
	s0 =	simm.s32 @p2 $0x1  }
0x17: {  	s4 =	simm.s32 $0x1BF5;
	[smem:$0x3FB6] =	sst s0  }
0x18: {  	s0 =	sld [smem:$0x3F99];
	_ =	swait.ge [sflag:s4], $0x0  }
0x19: {  	s7 =	sld [smem:$0x3F9A]  }
0x1a: {  	s8 =	sadd.s32 $0xFFFFE003, lr  }
0x1b: {  	s9 =	sadd.s32 $0xFFFFFEF7, lr;
	s5 =	simm.s32 $0xFFFFFFFF;
	p2 =	slt.u32 s8, $0xFFFFF086  }
0x1c: {  	p1 =	slt.u32 s9, $0xF7A;
	s5 =	simm.s32 @!p2 $0x0  }
0x1d: {  	s5 =	simm.s32 @p1 $0x1;
	p0 =	seq.s32 s7, s2  }
0x1e: {  	s7 =	smul.u32 @!p0 $0xF7A, s2;
	p2 =	seq.s32 @!p0 s5, $0x0  }
0x1f: {  	s9 =	smul.u32 $0xF7A, s1;
	s8 =	simm.s32 @!p0 $0x1BF5;
	p2 =	por !p2, p0  }
0x20: {  	[sflag:s8] =	ssyncset.s32 @!p0 $0xFFFFF086;
	s6 =	sadd.s32 @!p0 s3, s7;
	s7 =	simm.s32 @!p0 $0x108  }
0x21: {  	s3 =	sadd.s32 s3, s9;
	s6 =	sadd.s32 @!p0 $0x88, s6;
	s7 =	simm.s32 @p2 $0x1082  }
0x22: {  	[simem:s7], [sflag:s8] =	dma.local @!p0 [hbm:s6], $0xF7A  }
0x23: {  	s9 =	sor.u32 $0xD0000000, s2;
	s6 =	simm.s32 $0x108;
	_ =	swait.ge @!p0 [sflag:s8], $0x0  }
0x24: {  	s3 =	sadd.s32 $0x88, s3;
	s6 =	simm.s32 @!p1 $0x1082;
	[sflag:s4] =	ssyncset.s32 $0xFFFFF086  }
0x25: {  	[simem:s6], [sflag:s4] =	dma.local [hbm:s3], $0xF7A  }
0x26: {  	[smem:$0x3F9A] =	sst s1;
	(tag) =	ssettag s2;
	_ =	strace s9  }
0x27: {  	s1 =	sld [smem:$0x3FAA]  }
0x28: {  	s2 =	sld [smem:$0x3FAB]  }
0x29: {  	s4 =	sld [smem:$0x3FAD]  }
0x2a: {  	p0 =	seq.s32 s5, $0x0;
	s5 =	sld [smem:$0x3FAE]  }
0x2b: {  	s6 =	sld [smem:$0x3FAF]  }
0x2c: {  	s7 =	sld [smem:$0x3FB0]  }
0x2d: {  	s3 =	simm.s32 $0x108;
	s8 =	sld [smem:$0x3FB1]  }
0x2e: {  	s3 =	simm.s32 @!p0 $0x1082;
	s9 =	sld [smem:$0x3FB2]  }
0x2f: {  	lr =	sadd.s32 s0, s3;
	s0 =	sld [smem:$0x3FA9]  }
0x30: {  	s3 =	sld [smem:$0x3FAC]  }
0x31: {  	[smem:$0x3FB5] =	sst s10  }
0x32: {  	s10 =	sld [smem:$0x3FB3];
	_ =	sdelay $0x3  }
0x33: {  	p0 =	seq.s32 s10, $0x1;
	s10 =	sld [smem:$0x3FB5];
	_ =	sdelay $0x3  }
0x34: {  	[smem:$0x3FB5] =	sst s10  }
0x35: {  	s10 =	sld [smem:$0x3FB4];
	_ =	sdelay $0x3  }
0x36: {  	p1 =	seq.s32 s10, $0x1;
	s10 =	sld [smem:$0x3FB5];
	_ =	sdelay $0x3  }
0x37: {  	[smem:$0x3FB5] =	sst s10  }
0x38: {  	s10 =	sld [smem:$0x3FB6]  }
0x39: {  	_ = 	snop;
	(pc) =	sbr.ind lr, $3  }
0x3a: {  	_ = 	snop  }
0x3b: {  	_ = 	snop  }
0x3c: {  	p2 =	seq.s32 s10, $0x1;
	s10 =	sld [smem:$0x3FB5]  }
0x3d: {  	_ =	shalt  }
0x3e: {  	_ =	shalt  }
0x3f: {  	_ =	shalt  }
0x40: {  	_ =	shalt  }
0x41: {  	_ =	shalt  }
0x42: {  	_ =	shalt  }
0x43: {  	_ =	shalt  }
0x44: {  	_ =	shalt  }
0x45: {  	_ =	shalt  }
0x46: {  	_ =	shalt  }
0x47: {  	_ =	shalt  }
0x48: {  	_ =	shalt  }
0x49: {  	_ =	shalt  }
0x4a: {  	_ =	shalt  }
0x4b: {  	_ =	shalt  }
0x4c: {  	_ =	shalt  }
0x4d: {  	_ =	shalt  }
0x4e: {  	_ =	shalt  }
0x4f: {  	_ =	shalt  }
0x50: {  	_ =	shalt  }
0x51: {  	_ =	shalt  }
0x52: {  	_ =	shalt  }
0x53: {  	_ =	shalt  }
0x54: {  	_ =	shalt  }
0x55: {  	_ =	shalt  }
0x56: {  	_ =	shalt  }
0x57: {  	_ =	shalt  }
0x58: {  	_ =	shalt  }
0x59: {  	_ =	shalt  }
0x5a: {  	_ =	shalt  }
0x5b: {  	_ =	shalt  }
0x5c: {  	_ =	shalt  }
0x5d: {  	_ =	shalt  }
0x5e: {  	_ =	shalt  }
0x5f: {  	_ =	shalt  }
0x60: {  	_ =	shalt  }
0x61: {  	_ =	shalt  }
0x62: {  	_ =	shalt  }
0x63: {  	_ =	shalt  }
0x64: {  	_ =	shalt  }
0x65: {  	_ =	shalt  }
0x66: {  	_ =	shalt  }
0x67: {  	_ =	shalt  }
0x68: {  	_ =	shalt  }
0x69: {  	_ =	shalt  }
0x6a: {  	_ =	shalt  }
0x6b: {  	_ =	shalt  }
0x6c: {  	_ =	shalt  }
0x6d: {  	_ =	shalt  }
0x6e: {  	_ =	shalt  }
0x6f: {  	_ =	shalt  }
0x70: {  	_ =	shalt  }
0x71: {  	_ =	shalt  }
0x72: {  	_ =	shalt  }
0x73: {  	_ =	shalt  }
0x74: {  	_ =	shalt  }
0x75: {  	_ =	shalt  }
0x76: {  	_ =	shalt  }
0x77: {  	_ =	shalt  }
0x78: {  	_ =	shalt  }
0x79: {  	_ =	shalt  }
0x7a: {  	_ =	shalt  }
0x7b: {  	_ =	shalt  }
0x7c: {  	_ =	shalt  }
0x7d: {  	_ =	shalt  }
0x7e: {  	_ =	shalt  }
0x7f: {  	_ =	shalt  }
0x80: {  	_ =	shalt  }
0x81: {  	_ =	shalt  }
0x82: {  	_ =	shalt  }
0x83: {  	_ =	shalt  }
0x84: {  	_ =	shalt  }
0x85: {  	_ =	shalt  }
0x86: {  	_ =	shalt  }
0x87: {  	_ =	shalt  }
.Lfunc_end0:
.L_simem_size_0:
called_computation_lowered:
.L_overlay_start_0:
0x88: {  	s2 =	sld [smem:$0x3FD9]  }
0x89: {  	s3 =	sld [smem:$0x3FFE];
	_ =	sdelay $0x1  }
0x8a: {  	s1 =	srdreg.scid  }
0x8b: {  	s0 =	sand.u32 $0x1, s1  }
0x8c: {  	s16 =	sshll.u32 s0, $0xA;
	s2 =	sadd.s32 s3, s2  }
0x8d: {  	s2 =	sadd.s32 s2, s16  }
0x8e: {  	[smem:$0x3FC1] =	sst s2  }
0x8f: {  	_ = 	snop  }
0x90: {  	(tm) =	ssettm $0x1  }
0x91: {  	s17 =	sld [smem:$0x3FFB];
	_ =	sdelay $0x3  }
0x92: {  	_ =	strace s17  }
0x93: {  	s2 =	sld [smem:$0x3FFC];
	_ =	sdelay $0x3  }
0x94: {  	_ =	strace s2  }
0x95: {  	s2 =	sld [smem:$0x3FFD];
	_ =	sdelay $0x3  }
0x96: {  	_ =	strace s2  }
0x97: {  	_ =	strace $0x8FFFFFFF  }
0x98: {  	s18 =	sld [smem:$0x3FDB];
	_ =	sdelay $0x1  }
0x99: {  	s19 =	simm.s32 $_scs_section_size  }
0x9a: {  	s4 =	simm.s32 $_size__tile_overlayer_lowered;
	s5 =	simm.s32 $_tile_overlayer_lowered  }
0x9b: {  	s22 =	simm.s32 $0x1BFF;
	s21 =	sshll.u32 s5, $0x1;
	s2 =	sadd.s32 s19, s18  }
0x9c: {  	s6 =	simm.s32 $0x0;
	s20 =	sshll.u32 s4, $0x1;
	s4 =	sadd.s32 s21, s2  }
0x9d: {  	[timem:s6], [sflag:s22] =	dma.local [hbm:s4], s20  }
0x9e: {  	_ =	swait.ge [sflag:s22], s20  }
0x9f: {  	s3 =	ssub.s32 $0x0, s20;
	[sflag:s22] =	ssyncset.done $0x0  }
0xa0: {  	[sflag:s22] =	ssyncadd.s32 s3;
	_ =	sdelay $0x1  }
0xa1: {  	s23 =	simm.s32 $0x1B8B  }
0xa2: {  	_ =	swait.ge [sflag:s23], $0x1  }
0xa3: {  	[sflag:s23] =	ssyncset.done $0x0  }
0xa4: {  	s25 =	simm.s32 $0x1B8E;
	s24 =	sld [smem:$0x3FFE];
	[sflag:s23] =	ssyncadd.s32 $0xFFFFFFFF  }
0xa5: {  	s26 =	simm.s32 $execute0_lowered;
	[smem:$0x3FD2] =	sst s25  }
0xa6: {  	s4 =	sshll.u32 s26, $0x1;
	_ =	strace $0x80000046;
	[dreg:$0x1] =	wrdreg $0xFFFFFFFF  }
0xa7: {  	s28 =	simm.s32 $_size_execute0_lowered;
	s2 =	sadd.s32 s2, s4;
	[dreg:$0x0] =	wrdreg $0x0  }
0xa8: {  	s4 =	sshll.u32 s28, $0x1;
	[dreg:$0x2] =	wrdreg s2  }
0xa9: {  	[dreg:$0x3] =	wrdreg s4  }
0xaa: {  	[dreg:$0x4] =	wrdreg $0xC0  }
0xab: {  	_ =	task [dreg:s6], $0x5FFFF  }
0xac: {  	[dreg:$0x1] =	wrdreg $0xFFFFFFFF  }
0xad: {  	[dreg:$0x0] =	wrdreg $0x60  }
0xae: {  	[dreg:$0x2] =	wrdreg s24  }
0xaf: {  	[dreg:$0x3] =	wrdreg $0x9  }
0xb0: {  	_ =	task.clear_ibuf [dreg:s6], $0x4FFFF;
	_ =	strace $0x90000046  }
0xb1: {  	s29 =	simm.s32 $0x9;
	_ =	strace $0x80000048  }
0xb2: {  	_ =	swait.ge [sflag:s29], $0x1  }
0xb3: {  	[sflag:s29] =	ssyncadd.s32 $0xFFFFFFFF  }
0xb4: {  	_ =	strace $0x90000048  }
0xb5: {  	_ =	sfence  }
0xb6: {  	s30 =	sld [smem:$0x0];
	_ =	sdelay $0x2  }
0xb7: {  	s31 =	sshll.u32 s1, $0xD;
	s1 =	sshrl.u32 s1, $0x2  }
0xb8: {  	s3 =	sand.u32 $0x4000, s31;
	s1 =	sadd.s32 s1, s30  }
0xb9: {  	s0 =	sor.u32 s3, s0;
	s1 =	sshll.u32 s1, $0x11  }
0xba: {  	s0 =	sor.u32 s1, s0  }
0xbb: {  	s0 =	sadd.s32 $0x8F2B, s0  }
0xbc: {  	[sflag:s0] =	ssyncadd.remote.s32 $0x1  }
0xbd: {  	_ =	sfence.sel $0xFFFF  }
0xbe: {  	[dreg:$0x0] =	wrdreg $0xFFFFFFFF;
	(pc) =	sbr.abs _section_cstart, $3  }
0xbf: {  	[dreg:$0x1] =	wrdreg $0xFFFFFFFF  }
0xc0: {  	_ =	task.clear_ibuf [dreg:s6], $0x2FFFF;
	_ =	strace $0x9FFFFFFF  }
0xc1: {  	(tm) =	ssettm $0x7FFFFFFF  }
tec
execute0_lowered:
.L_overlay_start_1:
0x0: {  	(tag) =	ssettag $0x1  }
0x1: {  	s6 =	rddreg [dreg:$0x0]  }
0x2: {  	s0 =	rddreg [dreg:$0x1]  }
0x3: {  	s3 =	srdreg.scid;
	s1 =	stileid.u32;
	s2 =	simm.s32 $0x0  }
0x4: {  	s17 =	simm.s32 $0x1480;
	s18 =	simm.s32 $0x5480;
	s19 =	simm.s32 $0x1  }
0x5: {  	s20 =	simm.s32 $0x2;
	s21 =	simm.s32 $0xF80;
	s22 =	simm.s32 $0x1000  }
0x6: {  	s23 =	simm.s32 $0x1400;
	s24 =	simm.s32 $0x0;
	s11 =	sand.u32 $0x1, s3  }
0x7: {  	s28 =	sshll.u32 s1, $0x1;
	[smem:$0x7FF] =	sst s2;
	s4 =	sadd.s32 $0x7B4200, s6  }
0x8: {  	s3 =	sadd.s32 $0x5A00, s6;
	s5 =	sadd.s32 $0x7B6200, s6;
	s16 =	smul.u32 $0x21000, s1  }
0x9: {  	s13 =	sadd.s32 $0x7EA000, s6;
	s7 =	sor.u32 s11, s28;
	s31 =	smul.u32 $0x10800, s11  }
0xa: {  	_ =	strace $0x80000047;
	s12 =	ssub.s32 $0x2, s11;
	s8 =	smul.u32 $0x280, s7  }
0xb: {  	s9 =	sshll.u32 s7, $0x4;
	s10 =	smul.u32 $0x84000, s7;
	s14 =	sshll.u32 s7, $0xB  }
0xc: {  	s15 =	sshrl.u32 s12, $0x1;
	s29 =	smul.u32 $0x10800, s7;
	s16 =	sadd.s32 s16, s13  }
0xd: {  	s9 =	sadd.s32 s9, s6;
	s14 =	sadd.s32 s14, s6;
	s12 =	ssub.s32 s12, s15  }
0xe: {  	s15 =	simm.s32 $0x3;
	s8 =	sadd.s32 s8, s6;
	s10 =	sshrl.u32 s10, $0x3  }
0xf: {  	s30 =	sadd.s32 s13, s29;
	s11 =	smax.u32 s12, $0x1;
	s6 =	sadd.s32 $0x7C4C00, s8  }
0x10: {  	s10 =	sadd.s32 s13, s10;
	s8 =	sadd.s32 $0x7C9E00, s9;
	s9 =	sadd.s32 $0x7CA000, s14  }
0x11: {  	s12 =	sadd.s32 $0xF000, s30;
	s13 =	sadd.s32 $0xF800, s30;
	s7 =	sadd.s32 $0x10000, s10  }
0x12: {  	s10 =	sadd.s32 $0x7DA000, s14;
	s14 =	sadd.s32 s31, s16;
	s16 =	simm.s32 $0x80  }
.LBB2_1:
0x13: {  	[tilespmem:s2], [sflag:$0x3] =	stream.linear.gather [hbm4b:s6+s2], $0x1080, $0x38;
	[tilespmem:$0x9480] =	vst v63  }
0x14: {  	_ =	swait.ge [sflag:s15], $0x1080  }
0x15: {  	[sflag:s15] =	ssyncset.done $0x0  }
0x16: {  	[sflag:s15] =	ssyncadd.s32 $0xFFFFEF80  }
0x17: {  	[tilespmem:s17], [sflag:$0x1] =	stream.indirect.gather [hbm4b:s3+s16], $0x80, s2, s16, $0xb8;
	[tilespmem:$0x9480] =	vst v63  }
0x18: {  	s25 =	simm.s32 $0x80  }
0x19: {  	[tilespmem:s18], [sflag:$0x2] =	stream.indirect.gather [hbm4b:s3+s16], $0x80, s25, s16, $0xb8;
	[tilespmem:$0x9480] =	vst v63  }
0x1a: {  	_ =	swait.ge [sflag:s19], $0x4000  }
0x1b: {  	[sflag:s19] =	ssyncset.done $0x0  }
0x1c: {  	s31 =	sadd.s32 $0x0, s14;
	[sflag:s19] =	ssyncadd.s32 $0xFFFFC000  }
0x1d: {  	[hbm4b:s31+s2] =	stream.linear.scatter [tilespmem:s17], [sflag:$0x3], $0x4000, $0x38;
	[tilespmem:$0x9480] =	vst v63  }
0x1e: {  	_ =	swait.ge [sflag:s15], $0x4000  }
0x1f: {  	[sflag:s15] =	ssyncset.done $0x0  }
0x20: {  	s26 =	simm.s32 $0x100;
	[sflag:s15] =	ssyncadd.s32 $0xFFFFC000  }
0x21: {  	[tilespmem:s17], [sflag:$0x1] =	stream.indirect.gather [hbm4b:s3+s16], $0x80, s26, s16, $0xb8;
	[tilespmem:$0x9480] =	vst v63  }
0x22: {  	_ =	swait.ge [sflag:s20], $0x4000  }
0x23: {  	[sflag:s20] =	ssyncset.done $0x0  }
0x24: {  	s25 =	sadd.s32 $0x800, s31;
	[sflag:s20] =	ssyncadd.s32 $0xFFFFC000  }
0x25: {  	[hbm4b:s25+s2] =	stream.linear.scatter [tilespmem:s18], [sflag:$0x3], $0x4000, $0x38;
	[tilespmem:$0x9480] =	vst v63  }
0x26: {  	s28 =	simm.s32 $0x2000;
	_ =	swait.ge [sflag:s15], $0x4000  }
0x27: {  	s26 =	simm.s32 $0x1000;
	s25 =	simm.s32 $0x200;
	[sflag:s15] =	ssyncset.done $0x0  }
.LBB2_2:
0x28: {  	p0 =	sne.s32 s28, $0xE000;
	s29 =	sadd.s32 $0xFFFFFF80, s25;
	[sflag:s15] =	ssyncadd.s32 $0xFFFFC000  }
0x29: {  	[tilespmem:s18], [sflag:$0x2] =	stream.indirect.gather [hbm4b:s3+s16], $0x80, s29, s16, $0xb8;
	[tilespmem:$0x9480] =	vst v63  }
0x2a: {  	s29 =	smov.u32 s28;
	s28 =	sadd.s32 $0x1000, s28;
	_ =	swait.ge [sflag:s19], $0x4000  }
0x2b: {  	[sflag:s19] =	ssyncset.done $0x0  }
0x2c: {  	s30 =	sadd.s32 s26, s14;
	s26 =	smov.u32 s29;
	[sflag:s19] =	ssyncadd.s32 $0xFFFFC000  }
0x2d: {  	[hbm4b:s30+s2] =	stream.linear.scatter [tilespmem:s17], [sflag:$0x3], $0x4000, $0x38;
	[tilespmem:$0x9480] =	vst v63  }
0x2e: {  	_ =	swait.ge [sflag:s15], $0x4000  }
0x2f: {  	[sflag:s15] =	ssyncset.done $0x0  }
0x30: {  	[sflag:s15] =	ssyncadd.s32 $0xFFFFC000  }
0x31: {  	[tilespmem:s17], [sflag:$0x1] =	stream.indirect.gather [hbm4b:s3+s16], $0x80, s25, s16, $0xb8;
	[tilespmem:$0x9480] =	vst v63  }
0x32: {  	_ =	swait.ge [sflag:s20], $0x4000  }
.Ltmp0:
0x33: {  	[sflag:s20] =	ssyncset.done $0x0;
	(pc) =	sbr.rel @p0 .LBB2_2-.Ltmp0, $4  }
0x34: {  	s29 =	sadd.s32 $0x800, s30;
	[sflag:s20] =	ssyncadd.s32 $0xFFFFC000  }
0x35: {  	[hbm4b:s29+s2] =	stream.linear.scatter [tilespmem:s18], [sflag:$0x3], $0x4000, $0x38;
	[tilespmem:$0x9480] =	vst v63  }
0x36: {  	_ =	swait.ge [sflag:s15], $0x4000  }
0x37: {  	s25 =	sadd.s32 $0x100, s25;
	[sflag:s15] =	ssyncset.done $0x0  }
0x38: {  	s28 =	sadd.s32 $0xFFFFFF80, s25;
	[sflag:s15] =	ssyncadd.s32 $0xFFFFC000  }
0x39: {  	[tilespmem:s18], [sflag:$0x2] =	stream.indirect.gather [hbm4b:s3+s16], $0x80, s28, s16, $0xb8;
	[tilespmem:$0x9480] =	vst v63  }
0x3a: {  	_ =	swait.ge [sflag:s19], $0x4000  }
0x3b: {  	[sflag:s19] =	ssyncset.done $0x0  }
0x3c: {  	s26 =	sadd.s32 s26, s14;
	[sflag:s19] =	ssyncadd.s32 $0xFFFFC000  }
0x3d: {  	[hbm4b:s26+s2] =	stream.linear.scatter [tilespmem:s17], [sflag:$0x3], $0x4000, $0x38;
	[tilespmem:$0x9480] =	vst v63  }
0x3e: {  	_ =	swait.ge [sflag:s15], $0x4000  }
0x3f: {  	[sflag:s15] =	ssyncset.done $0x0  }
0x40: {  	[sflag:s15] =	ssyncadd.s32 $0xFFFFC000  }
0x41: {  	[tilespmem:s17], [sflag:$0x1] =	stream.indirect.gather [hbm4b:s3+s16], $0x80, s25, s16, $0xb8;
	[tilespmem:$0x9480] =	vst v63  }
0x42: {  	_ =	swait.ge [sflag:s20], $0x4000  }
0x43: {  	[sflag:s20] =	ssyncset.done $0x0  }
0x44: {  	s31 =	sadd.s32 $0x800, s26;
	[sflag:s20] =	ssyncadd.s32 $0xFFFFC000  }
0x45: {  	[hbm4b:s31+s2] =	stream.linear.scatter [tilespmem:s18], [sflag:$0x3], $0x4000, $0x38;
	[tilespmem:$0x9480] =	vst v63  }
0x46: {  	_ =	swait.ge [sflag:s15], $0x4000  }
0x47: {  	[sflag:s15] =	ssyncset.done $0x0  }
0x48: {  	[sflag:s15] =	ssyncadd.s32 $0xFFFFC000  }
0x49: {  	[tilespmem:s18], [sflag:$0x2] =	stream.indirect.gather [hbm4b:s3+s16], $0x80, s21, s16, $0xb8;
	[tilespmem:$0x9480] =	vst v63  }
0x4a: {  	_ =	swait.ge [sflag:s19], $0x4000  }
0x4b: {  	[sflag:s19] =	ssyncset.done $0x0  }
0x4c: {  	[sflag:s19] =	ssyncadd.s32 $0xFFFFC000  }
0x4d: {  	[hbm4b:s12+s2] =	stream.linear.scatter [tilespmem:s17], [sflag:$0x3], $0x4000, $0x38;
	[tilespmem:$0x9480] =	vst v63  }
0x4e: {  	_ =	swait.ge [sflag:s15], $0x4000  }
0x4f: {  	[sflag:s15] =	ssyncset.done $0x0  }
0x50: {  	[sflag:s15] =	ssyncadd.s32 $0xFFFFC000  }
0x51: {  	_ =	swait.ge [sflag:s20], $0x4000  }
0x52: {  	[sflag:s20] =	ssyncset.done $0x0  }
0x53: {  	[sflag:s20] =	ssyncadd.s32 $0xFFFFC000  }
0x54: {  	[hbm4b:s13+s2] =	stream.linear.scatter [tilespmem:s18], [sflag:$0x3], $0x4000, $0x38;
	[tilespmem:$0x9480] =	vst v63  }
0x55: {  	_ =	swait.ge [sflag:s15], $0x4000  }
0x56: {  	[sflag:s15] =	ssyncset.done $0x0  }
0x57: {  	[sflag:s15] =	ssyncadd.s32 $0xFFFFC000  }
0x58: {  	[tilespmem:s17], [sflag:$0x1] =	stream.indirect.gather [hbm4b:s3+s16], $0x80, s22, s16, $0xb8;
	[tilespmem:$0x9480] =	vst v63  }
0x59: {  	_ =	swait.ge [sflag:s19], $0x4000  }
0x5a: {  	[sflag:s19] =	ssyncset.done $0x0  }
0x5b: {  	[sflag:s19] =	ssyncadd.s32 $0xFFFFC000  }
0x5c: {  	[hbm4b:s7+s2] =	stream.linear.scatter [tilespmem:s17], [sflag:$0x3], $0x4000, $0x38;
	[tilespmem:$0x9480] =	vst v63  }
0x5d: {  	_ =	swait.ge [sflag:s15], $0x4000  }
0x5e: {  	[sflag:s15] =	ssyncset.done $0x0  }
0x5f: {  	[sflag:s15] =	ssyncadd.s32 $0xFFFFC000  }
0x60: {  	[tilespmem:s23], [sflag:$0x3] =	stream.linear.gather [hbm4b:s8+s2], $0x80, $0x38;
	[tilespmem:$0x9480] =	vst v63  }
0x61: {  	_ =	swait.ge [sflag:s15], $0x80  }
0x62: {  	[sflag:s15] =	ssyncset.done $0x0  }
0x63: {  	[sflag:s15] =	ssyncadd.s32 $0xFFFFFF80  }
0x64: {  	[tilespmem:s17], [sflag:$0x1] =	stream.indirect.gather [hbm4b:s4+s16], $0x80, s23, s16, $0xb8;
	[tilespmem:$0x9480] =	vst v63  }
0x65: {  	_ =	swait.ge [sflag:s19], $0x4000  }
0x66: {  	[sflag:s19] =	ssyncset.done $0x0  }
0x67: {  	[sflag:s19] =	ssyncadd.s32 $0xFFFFC000  }
0x68: {  	[hbm4b:s9+s2] =	stream.linear.scatter [tilespmem:s17], [sflag:$0x3], $0x4000, $0x38;
	[tilespmem:$0x9480] =	vst v63  }
0x69: {  	_ =	swait.ge [sflag:s15], $0x4000  }
0x6a: {  	[sflag:s15] =	ssyncset.done $0x0  }
0x6b: {  	[sflag:s15] =	ssyncadd.s32 $0xFFFFC000  }
0x6c: {  	[tilespmem:s18], [sflag:$0x2] =	stream.indirect.gather [hbm4b:s5+s16], $0x80, s23, s16, $0xb8;
	[tilespmem:$0x9480] =	vst v63  }
0x6d: {  	s24 =	sadd.s32 $0x1, s24;
	_ =	swait.ge [sflag:s20], $0x4000  }
0x6e: {  	p0 =	sne.s32 s24, s11;
	[sflag:s20] =	ssyncset.done $0x0  }
.Ltmp1:
0x6f: {  	[sflag:s20] =	ssyncadd.s32 $0xFFFFC000;
	(pc) =	sbr.rel @p0 .LBB2_1-.Ltmp1, $4  }
0x70: {  	[hbm4b:s10+s2] =	stream.linear.scatter [tilespmem:s18], [sflag:$0x3], $0x4000, $0x38;
	[tilespmem:$0x9480] =	vst v63  }
0x71: {  	_ =	swait.ge [sflag:s15], $0x4000  }
0x72: {  	[sflag:s15] =	ssyncset.done $0x0  }
0x73: {  	[sflag:s15] =	ssyncadd.s32 $0xFFFFC000  }
0x74: {  	_ =	sfence.sel $0x180000  }
0x75: {  	[bflag:$0x0] =	sbarrier.arrive $0xFFFF  }
0x76: {  	p0 =	sne.s32 s1, $0x0;
	_ =	strace $0x90000047  }
0x77: {  	s0 =	sadd.s32 @!p0 $0x100000, s0;
	[bflag:$0x2] =	sbarrier.arrive $0xFFFF  }
0x78: {  	[sflag:s0] =	ssyncadd.tile.s32 @!p0 $0x1;
	_ =	shalt  }
.Lfunc_end2:
_tile_overlayer_lowered:
.L_overlay_start_2:
0x79: {  	(tag) =	ssettag $0x2  }
0x7a: {  	s0 =	rddreg [dreg:$0x0];
	s2 =	stileid.u32  }
0x7b: {  	s1 =	rddreg [dreg:$0x1];
	p0 =	sne.s32 s2, $0x0  }
0x7c: {  	s3 =	rddreg [dreg:$0x2];
	[bflag:$0x3] =	sbarrier.arrive $0xFFFF;
	s2 =	simm.s32 @!p0 $0x1C03  }
0x7d: {  	[timem:s3], [sflag:s2] =	dma.local @!p0 [hbm:s0], s1  }
0x7e: {  	s0 =	simm.s32 @!p0 $0x3  }
0x7f: {  	_ =	swait.ge @!p0 [sflag:s0], s1  }
0x80: {  	s1 =	ssub.s32 @!p0 $0x0, s1;
	[sflag:s0] =	ssyncset.done @!p0 $0x0  }
0x81: {  	[sflag:s0] =	ssyncadd.s32 @!p0 s1  }
0x82: {  	[bflag:$0x3] =	sbarrier.arrive $0xFFFF  }
0x83: {  	_ =	shalt  }

</sc_bundles>
